<compile_context>
chip_gen: v7x
topology: tpu7x:2x2x1
jax: 0.10.2.dev20260603
libtpu: 0.0.44.dev20260713+nightly
codegen_flags: <defaults>
</compile_context>

<pallas_src>
import functools

import jax
import jax.numpy as jnp
from jax import lax
from jax.experimental import pallas as pl
from jax.experimental.pallas import tpu as pltpu
from jax.experimental.pallas import tpu_sc as plsc

EMB = 64
PAD = 128
LANES = 128
NBUF = 4


_TC_BLOCK = 1024


def _tc_widen_body(tt_ref, out_ref):
    out_ref[:, pl.ds(0, EMB)] = tt_ref[...].T


def _tc_widen(tt, v):
    grid = (v + _TC_BLOCK - 1) // _TC_BLOCK
    return pl.pallas_call(
        _tc_widen_body,
        grid=(grid,),
        in_specs=[pl.BlockSpec((EMB, _TC_BLOCK), lambda i: (0, i))],
        out_specs=pl.BlockSpec((_TC_BLOCK, PAD), lambda i: (i, 0)),
        out_shape=jax.ShapeDtypeStruct((v, PAD), jnp.float32),
    )(tt)


def _make_emb_kernel(b_total, l_seq, nc, ns):
    nw = nc * ns
    rows_per_w = b_total // nw
    c0 = min(LANES, l_seq)
    c1 = l_seq - c0
    mesh = plsc.VectorSubcoreMesh(core_axis_name="c", subcore_axis_name="s")

    @functools.partial(
        pl.kernel,
        mesh=mesh,
        out_type=jax.ShapeDtypeStruct((b_total, l_seq, PAD), jnp.float32),
        compiler_params=pltpu.CompilerParams(use_tc_tiling_on_sc=False),
        scratch_types=(
            [pltpu.VMEM((rows_per_w, LANES), jnp.int32)] * 2
            + [pltpu.VMEM((l_seq, EMB), jnp.float32)] * NBUF
            + [pltpu.SemaphoreType.DMA] * (2 * NBUF)
        ),
    )
    def emb_kernel(xa_hbm, xb_hbm, table_hbm, out_hbm, idxa_v, idxb_v, *bufs_and_sems):
        rows = bufs_and_sems[:NBUF]
        gsem = bufs_and_sems[NBUF : 2 * NBUF]
        ssem = bufs_and_sems[2 * NBUF :]

        wid = lax.axis_index("s") * nc + lax.axis_index("c")
        base = wid * rows_per_w

        pltpu.sync_copy(xa_hbm.at[pl.ds(base, rows_per_w)], idxa_v)
        pltpu.sync_copy(xb_hbm.at[pl.ds(base, rows_per_w)], idxb_v)

        def gather_start(bi, buf):
            pltpu.make_async_copy(
                table_hbm.at[idxa_v.at[bi]],
                rows[buf].at[pl.ds(0, c0)],
                gsem[buf],
            ).start()
            if c1:
                pltpu.make_async_copy(
                    table_hbm.at[idxb_v.at[bi, pl.ds(0, c1)]],
                    rows[buf].at[pl.ds(c0, c1)],
                    gsem[buf],
                ).start()

        def gather_wait(buf):
            pltpu.make_async_copy(
                table_hbm.at[idxa_v.at[0, pl.ds(0, l_seq)]], rows[buf], gsem[buf]
            ).wait()

        def store_start(bi, buf):
            pltpu.make_async_copy(
                rows[buf], out_hbm.at[base + bi, :, pl.ds(0, EMB)], ssem[buf]
            ).start()

        def store_wait(buf):
            pltpu.make_async_copy(
                rows[buf], out_hbm.at[base, :, pl.ds(0, EMB)], ssem[buf]
            ).wait()

        for b in range(NBUF):
            gather_start(b, b)

        n_main = rows_per_w // NBUF - 1

        def body(i, _):
            for b in range(NBUF):
                bi = i * NBUF + b
                gather_wait(b)
                store_start(bi, b)
                store_wait(b)
                gather_start(bi + NBUF, b)
            return 0

        lax.fori_loop(0, n_main, body, 0)

        for b in range(NBUF):
            bi = n_main * NBUF + b
            gather_wait(b)
            store_start(bi, b)
            store_wait(b)

    return emb_kernel


def kernel(x, table):
    b, l = x.shape
    info = plsc.get_sparse_core_info()
    nc, ns = info.num_cores, info.num_subcores
    xi = x.astype(jnp.int32)
    xa = lax.slice(xi, (0, 0), (b, LANES))
    xb = lax.pad(
        lax.slice(xi, (0, LANES), (b, l)),
        jnp.int32(0),
        ((0, 0, 0), (0, 2 * LANES - l, 0)),
    )
    v = table.shape[0]
    t2 = _tc_widen(table.T, v).reshape(2 * v, EMB)
    emb = _make_emb_kernel(b, l, nc, ns)
    out = emb(xa * 2, xb * 2, t2)
    return out[:, :, :EMB]

# --- scband reference (transcript-rebuilt; emitter-appended) ---
"""Pipeline reference for scband-word-embedding-layer-1065151889533 (READ-ONLY COPY).

The authoritative reference and input builder live on the scoring server;
editing this copy changes nothing except your own understanding.
"""

import jax, jax.numpy as jnp
import numpy as np

VOCAB = 1000000
EMB = 64
B = 4096
L = 200

def setup_inputs(seed: int = 0) -> dict:
    key = jax.random.key(seed)
    k_idx, k_tab = jax.random.split(key)
    x = jax.random.randint(k_idx, (B, L), 0, VOCAB, dtype=jnp.int64) if jax.config.jax_enable_x64 else jax.random.randint(k_idx, (B, L), 0, VOCAB, dtype=jnp.int32)
    table = jax.random.normal(k_tab, (VOCAB, EMB), dtype=jnp.float32) * 0.02
    return {"x": x, "table": table}

def reference(x, table):
    # Faithful translation of the non-BERT branch: out = self.embeddings(x)
    out = jnp.take(table, x, axis=0)
    return out

if __name__ == "__main__":
    import jax
    _d = setup_inputs()
    print(jax.jit(kernel)(*tuple(_d.values())))

</pallas_src>

<mosaic_0001>
#map = affine_map<(d0, d1) -> (0, 0)>
#map1 = affine_map<(d0, d1) -> (0, 0, 0)>
module attributes {stable_mosaic.version = 14 : i64} {
  func.func @emb_kernel(%arg0: i32, %arg1: i32, %arg2: memref<4096x128xi32, #tpu.memory_space<hbm>>, %arg3: memref<4096x128xi32, #tpu.memory_space<hbm>>, %arg4: memref<2000000x64xf32, #tpu.memory_space<hbm>>, %arg5: memref<4096x200x128xf32, #tpu.memory_space<hbm>>, %arg6: memref<128x128xi32, #tpu.memory_space<vmem>>, %arg7: memref<128x128xi32, #tpu.memory_space<vmem>>, %arg8: memref<200x64xf32, #tpu.memory_space<vmem>>, %arg9: memref<200x64xf32, #tpu.memory_space<vmem>>, %arg10: memref<200x64xf32, #tpu.memory_space<vmem>>, %arg11: memref<200x64xf32, #tpu.memory_space<vmem>>, %arg12: memref<!tpu.dma_semaphore, #tpu.memory_space<semaphore_mem>>, %arg13: memref<!tpu.dma_semaphore, #tpu.memory_space<semaphore_mem>>, %arg14: memref<!tpu.dma_semaphore, #tpu.memory_space<semaphore_mem>>, %arg15: memref<!tpu.dma_semaphore, #tpu.memory_space<semaphore_mem>>, %arg16: memref<!tpu.dma_semaphore, #tpu.memory_space<semaphore_mem>>, %arg17: memref<!tpu.dma_semaphore, #tpu.memory_space<semaphore_mem>>, %arg18: memref<!tpu.dma_semaphore, #tpu.memory_space<semaphore_mem>>, %arg19: memref<!tpu.dma_semaphore, #tpu.memory_space<semaphore_mem>>) attributes {dimension_semantics = [#tpu.dimension_semantics<core_parallel>, #tpu.dimension_semantics<subcore_parallel>], iteration_bounds = array<i64: 2, 16>, scalar_prefetch = 0 : i64, scratch_operands = 14 : i64, tpu.core_type = #tpu.core_type<sc_vector_subcore>, window_params = [{transform_indices = #map}, {transform_indices = #map}, {transform_indices = #map}, {transform_indices = #map1}]} {
    %mul3A = arith.constant 2 : i32
    %mul3A_0 = arith.muli %arg1, %mul3A : i32
    %add3A = arith.addi %mul3A_0, %arg0 : i32
    %mul3A_1 = arith.constant 128 : i32
    %mul3A_2 = arith.muli %add3A, %mul3A_1 : i32
    "tpu.region"() ({
      %run_scoped3A = tpu.sem_alloc : memref<!tpu.dma_semaphore, #tpu.memory_space<semaphore_mem>>
      %dma_start3A_187 = arith.constant 0 : i32
      %dma_start3A_188 = tpu.memref_slice %arg2[%mul3A_2, %dma_start3A_187] : memref<4096x128xi32, #tpu.memory_space<hbm>> -> memref<128x128xi32, #tpu.memory_space<hbm>>
      %dma_start3A_189 = arith.constant 0 : i32
      %dma_start3A_190 = tpu.memref_slice %arg2[%mul3A_2, %dma_start3A_189] : memref<4096x128xi32, #tpu.memory_space<hbm>> -> memref<128x128xi32, #tpu.memory_space<hbm>>
      tpu.enqueue_dma source(%dma_start3A_190 : memref<128x128xi32, #tpu.memory_space<hbm>>) target(%arg6 : memref<128x128xi32, #tpu.memory_space<vmem>>) target_semaphore(%run_scoped3A : memref<!tpu.dma_semaphore, #tpu.memory_space<semaphore_mem>>)
      %dma_wait3A_191 = arith.constant 0 : i32
      %dma_wait3A_192 = tpu.memref_slice %arg2[%mul3A_2, %dma_wait3A_191] : memref<4096x128xi32, #tpu.memory_space<hbm>> -> memref<128x128xi32, #tpu.memory_space<hbm>>
      %dma_wait3A_193 = arith.constant 0 : i32
      %dma_wait3A_194 = tpu.memref_slice %arg2[%mul3A_2, %dma_wait3A_193] : memref<4096x128xi32, #tpu.memory_space<hbm>> -> memref<128x128xi32, #tpu.memory_space<hbm>>
      tpu.wait_dma2 semaphore(%run_scoped3A : memref<!tpu.dma_semaphore, #tpu.memory_space<semaphore_mem>>) src(%dma_wait3A_194 : memref<128x128xi32, #tpu.memory_space<hbm>>) dst(%arg6 : memref<128x128xi32, #tpu.memory_space<vmem>>)
      tpu.yield
    }) : () -> ()
    "tpu.region"() ({
      %run_scoped3A = tpu.sem_alloc : memref<!tpu.dma_semaphore, #tpu.memory_space<semaphore_mem>>
      %dma_start3A_187 = arith.constant 0 : i32
      %dma_start3A_188 = tpu.memref_slice %arg3[%mul3A_2, %dma_start3A_187] : memref<4096x128xi32, #tpu.memory_space<hbm>> -> memref<128x128xi32, #tpu.memory_space<hbm>>
      %dma_start3A_189 = arith.constant 0 : i32
      %dma_start3A_190 = tpu.memref_slice %arg3[%mul3A_2, %dma_start3A_189] : memref<4096x128xi32, #tpu.memory_space<hbm>> -> memref<128x128xi32, #tpu.memory_space<hbm>>
      tpu.enqueue_dma source(%dma_start3A_190 : memref<128x128xi32, #tpu.memory_space<hbm>>) target(%arg7 : memref<128x128xi32, #tpu.memory_space<vmem>>) target_semaphore(%run_scoped3A : memref<!tpu.dma_semaphore, #tpu.memory_space<semaphore_mem>>)
      %dma_wait3A_191 = arith.constant 0 : i32
      %dma_wait3A_192 = tpu.memref_slice %arg3[%mul3A_2, %dma_wait3A_191] : memref<4096x128xi32, #tpu.memory_space<hbm>> -> memref<128x128xi32, #tpu.memory_space<hbm>>
      %dma_wait3A_193 = arith.constant 0 : i32
      %dma_wait3A_194 = tpu.memref_slice %arg3[%mul3A_2, %dma_wait3A_193] : memref<4096x128xi32, #tpu.memory_space<hbm>> -> memref<128x128xi32, #tpu.memory_space<hbm>>
      tpu.wait_dma2 semaphore(%run_scoped3A : memref<!tpu.dma_semaphore, #tpu.memory_space<semaphore_mem>>) src(%dma_wait3A_194 : memref<128x128xi32, #tpu.memory_space<hbm>>) dst(%arg7 : memref<128x128xi32, #tpu.memory_space<vmem>>)
      tpu.yield
    }) : () -> ()
    %dma_start3A = arith.constant 0 : i32
    %dma_start3A_3 = arith.constant 0 : i32
    %dma_start3A_4 = arith.constant 0 : i32
    %dma_start3A_5 = tpu.memref_slice %arg8[%dma_start3A_3, %dma_start3A_4] : memref<200x64xf32, #tpu.memory_space<vmem>> -> memref<128x64xf32, #tpu.memory_space<vmem>>
    %dma_start3A_6 = arith.constant 0 : i32
    %dma_start3A_7 = tpu.memref_slice %arg6[%dma_start3A, %dma_start3A_6] : memref<128x128xi32, #tpu.memory_space<vmem>> -> memref<1x128xi32, #tpu.memory_space<vmem>>
    %dma_start3A_8 = tpu.memref_squeeze %dma_start3A_7 : memref<1x128xi32, #tpu.memory_space<vmem>> -> memref<128xi32, #tpu.memory_space<vmem>>
    %dma_start3A_9 = arith.constant 0 : i32
    %dma_start3A_10 = arith.constant 0 : i32
    %dma_start3A_11 = tpu.memref_slice %arg4[%dma_start3A_9, %dma_start3A_10] : memref<2000000x64xf32, #tpu.memory_space<hbm>> -> memref<2000000x64xf32, #tpu.memory_space<hbm>>
    tpu.enqueue_indirect_dma source(%dma_start3A_11 : memref<2000000x64xf32, #tpu.memory_space<hbm>>) target(%dma_start3A_5 : memref<128x64xf32, #tpu.memory_space<vmem>>) offsets(%dma_start3A_8 : memref<128xi32, #tpu.memory_space<vmem>>) semaphore(%arg12 : memref<!tpu.dma_semaphore, #tpu.memory_space<semaphore_mem>>)
    %dma_start3A_12 = arith.constant 0 : i32
    %dma_start3A_13 = arith.constant 128 : i32
    %dma_start3A_14 = arith.constant 0 : i32
    %dma_start3A_15 = tpu.memref_slice %arg8[%dma_start3A_13, %dma_start3A_14] : memref<200x64xf32, #tpu.memory_space<vmem>> -> memref<72x64xf32, #tpu.memory_space<vmem>>
    %dma_start3A_16 = arith.constant 0 : i32
    %dma_start3A_17 = tpu.memref_slice %arg7[%dma_start3A_12, %dma_start3A_16] : memref<128x128xi32, #tpu.memory_space<vmem>> -> memref<1x72xi32, #tpu.memory_space<vmem>>
    %dma_start3A_18 = tpu.memref_squeeze %dma_start3A_17 : memref<1x72xi32, #tpu.memory_space<vmem>> -> memref<72xi32, #tpu.memory_space<vmem>>
    %dma_start3A_19 = arith.constant 0 : i32
    %dma_start3A_20 = arith.constant 0 : i32
    %dma_start3A_21 = tpu.memref_slice %arg4[%dma_start3A_19, %dma_start3A_20] : memref<2000000x64xf32, #tpu.memory_space<hbm>> -> memref<2000000x64xf32, #tpu.memory_space<hbm>>
    tpu.enqueue_indirect_dma source(%dma_start3A_21 : memref<2000000x64xf32, #tpu.memory_space<hbm>>) target(%dma_start3A_15 : memref<72x64xf32, #tpu.memory_space<vmem>>) offsets(%dma_start3A_18 : memref<72xi32, #tpu.memory_space<vmem>>) semaphore(%arg12 : memref<!tpu.dma_semaphore, #tpu.memory_space<semaphore_mem>>)
    %dma_start3A_22 = arith.constant 1 : i32
    %dma_start3A_23 = arith.constant 0 : i32
    %dma_start3A_24 = arith.constant 0 : i32
    %dma_start3A_25 = tpu.memref_slice %arg9[%dma_start3A_23, %dma_start3A_24] : memref<200x64xf32, #tpu.memory_space<vmem>> -> memref<128x64xf32, #tpu.memory_space<vmem>>
    %dma_start3A_26 = arith.constant 0 : i32
    %dma_start3A_27 = tpu.memref_slice %arg6[%dma_start3A_22, %dma_start3A_26] : memref<128x128xi32, #tpu.memory_space<vmem>> -> memref<1x128xi32, #tpu.memory_space<vmem>>
    %dma_start3A_28 = tpu.memref_squeeze %dma_start3A_27 : memref<1x128xi32, #tpu.memory_space<vmem>> -> memref<128xi32, #tpu.memory_space<vmem>>
    %dma_start3A_29 = arith.constant 0 : i32
    %dma_start3A_30 = arith.constant 0 : i32
    %dma_start3A_31 = tpu.memref_slice %arg4[%dma_start3A_29, %dma_start3A_30] : memref<2000000x64xf32, #tpu.memory_space<hbm>> -> memref<2000000x64xf32, #tpu.memory_space<hbm>>
    tpu.enqueue_indirect_dma source(%dma_start3A_31 : memref<2000000x64xf32, #tpu.memory_space<hbm>>) target(%dma_start3A_25 : memref<128x64xf32, #tpu.memory_space<vmem>>) offsets(%dma_start3A_28 : memref<128xi32, #tpu.memory_space<vmem>>) semaphore(%arg13 : memref<!tpu.dma_semaphore, #tpu.memory_space<semaphore_mem>>)
    %dma_start3A_32 = arith.constant 1 : i32
    %dma_start3A_33 = arith.constant 128 : i32
    %dma_start3A_34 = arith.constant 0 : i32
    %dma_start3A_35 = tpu.memref_slice %arg9[%dma_start3A_33, %dma_start3A_34] : memref<200x64xf32, #tpu.memory_space<vmem>> -> memref<72x64xf32, #tpu.memory_space<vmem>>
    %dma_start3A_36 = arith.constant 0 : i32
    %dma_start3A_37 = tpu.memref_slice %arg7[%dma_start3A_32, %dma_start3A_36] : memref<128x128xi32, #tpu.memory_space<vmem>> -> memref<1x72xi32, #tpu.memory_space<vmem>>
    %dma_start3A_38 = tpu.memref_squeeze %dma_start3A_37 : memref<1x72xi32, #tpu.memory_space<vmem>> -> memref<72xi32, #tpu.memory_space<vmem>>
    %dma_start3A_39 = arith.constant 0 : i32
    %dma_start3A_40 = arith.constant 0 : i32
    %dma_start3A_41 = tpu.memref_slice %arg4[%dma_start3A_39, %dma_start3A_40] : memref<2000000x64xf32, #tpu.memory_space<hbm>> -> memref<2000000x64xf32, #tpu.memory_space<hbm>>
    tpu.enqueue_indirect_dma source(%dma_start3A_41 : memref<2000000x64xf32, #tpu.memory_space<hbm>>) target(%dma_start3A_35 : memref<72x64xf32, #tpu.memory_space<vmem>>) offsets(%dma_start3A_38 : memref<72xi32, #tpu.memory_space<vmem>>) semaphore(%arg13 : memref<!tpu.dma_semaphore, #tpu.memory_space<semaphore_mem>>)
    %dma_start3A_42 = arith.constant 2 : i32
    %dma_start3A_43 = arith.constant 0 : i32
    %dma_start3A_44 = arith.constant 0 : i32
    %dma_start3A_45 = tpu.memref_slice %arg10[%dma_start3A_43, %dma_start3A_44] : memref<200x64xf32, #tpu.memory_space<vmem>> -> memref<128x64xf32, #tpu.memory_space<vmem>>
    %dma_start3A_46 = arith.constant 0 : i32
    %dma_start3A_47 = tpu.memref_slice %arg6[%dma_start3A_42, %dma_start3A_46] : memref<128x128xi32, #tpu.memory_space<vmem>> -> memref<1x128xi32, #tpu.memory_space<vmem>>
    %dma_start3A_48 = tpu.memref_squeeze %dma_start3A_47 : memref<1x128xi32, #tpu.memory_space<vmem>> -> memref<128xi32, #tpu.memory_space<vmem>>
    %dma_start3A_49 = arith.constant 0 : i32
    %dma_start3A_50 = arith.constant 0 : i32
    %dma_start3A_51 = tpu.memref_slice %arg4[%dma_start3A_49, %dma_start3A_50] : memref<2000000x64xf32, #tpu.memory_space<hbm>> -> memref<2000000x64xf32, #tpu.memory_space<hbm>>
    tpu.enqueue_indirect_dma source(%dma_start3A_51 : memref<2000000x64xf32, #tpu.memory_space<hbm>>) target(%dma_start3A_45 : memref<128x64xf32, #tpu.memory_space<vmem>>) offsets(%dma_start3A_48 : memref<128xi32, #tpu.memory_space<vmem>>) semaphore(%arg14 : memref<!tpu.dma_semaphore, #tpu.memory_space<semaphore_mem>>)
    %dma_start3A_52 = arith.constant 2 : i32
    %dma_start3A_53 = arith.constant 128 : i32
    %dma_start3A_54 = arith.constant 0 : i32
    %dma_start3A_55 = tpu.memref_slice %arg10[%dma_start3A_53, %dma_start3A_54] : memref<200x64xf32, #tpu.memory_space<vmem>> -> memref<72x64xf32, #tpu.memory_space<vmem>>
    %dma_start3A_56 = arith.constant 0 : i32
    %dma_start3A_57 = tpu.memref_slice %arg7[%dma_start3A_52, %dma_start3A_56] : memref<128x128xi32, #tpu.memory_space<vmem>> -> memref<1x72xi32, #tpu.memory_space<vmem>>
    %dma_start3A_58 = tpu.memref_squeeze %dma_start3A_57 : memref<1x72xi32, #tpu.memory_space<vmem>> -> memref<72xi32, #tpu.memory_space<vmem>>
    %dma_start3A_59 = arith.constant 0 : i32
    %dma_start3A_60 = arith.constant 0 : i32
    %dma_start3A_61 = tpu.memref_slice %arg4[%dma_start3A_59, %dma_start3A_60] : memref<2000000x64xf32, #tpu.memory_space<hbm>> -> memref<2000000x64xf32, #tpu.memory_space<hbm>>
    tpu.enqueue_indirect_dma source(%dma_start3A_61 : memref<2000000x64xf32, #tpu.memory_space<hbm>>) target(%dma_start3A_55 : memref<72x64xf32, #tpu.memory_space<vmem>>) offsets(%dma_start3A_58 : memref<72xi32, #tpu.memory_space<vmem>>) semaphore(%arg14 : memref<!tpu.dma_semaphore, #tpu.memory_space<semaphore_mem>>)
    %dma_start3A_62 = arith.constant 3 : i32
    %dma_start3A_63 = arith.constant 0 : i32
    %dma_start3A_64 = arith.constant 0 : i32
    %dma_start3A_65 = tpu.memref_slice %arg11[%dma_start3A_63, %dma_start3A_64] : memref<200x64xf32, #tpu.memory_space<vmem>> -> memref<128x64xf32, #tpu.memory_space<vmem>>
    %dma_start3A_66 = arith.constant 0 : i32
    %dma_start3A_67 = tpu.memref_slice %arg6[%dma_start3A_62, %dma_start3A_66] : memref<128x128xi32, #tpu.memory_space<vmem>> -> memref<1x128xi32, #tpu.memory_space<vmem>>
    %dma_start3A_68 = tpu.memref_squeeze %dma_start3A_67 : memref<1x128xi32, #tpu.memory_space<vmem>> -> memref<128xi32, #tpu.memory_space<vmem>>
    %dma_start3A_69 = arith.constant 0 : i32
    %dma_start3A_70 = arith.constant 0 : i32
    %dma_start3A_71 = tpu.memref_slice %arg4[%dma_start3A_69, %dma_start3A_70] : memref<2000000x64xf32, #tpu.memory_space<hbm>> -> memref<2000000x64xf32, #tpu.memory_space<hbm>>
    tpu.enqueue_indirect_dma source(%dma_start3A_71 : memref<2000000x64xf32, #tpu.memory_space<hbm>>) target(%dma_start3A_65 : memref<128x64xf32, #tpu.memory_space<vmem>>) offsets(%dma_start3A_68 : memref<128xi32, #tpu.memory_space<vmem>>) semaphore(%arg15 : memref<!tpu.dma_semaphore, #tpu.memory_space<semaphore_mem>>)
    %dma_start3A_72 = arith.constant 3 : i32
    %dma_start3A_73 = arith.constant 128 : i32
    %dma_start3A_74 = arith.constant 0 : i32
    %dma_start3A_75 = tpu.memref_slice %arg11[%dma_start3A_73, %dma_start3A_74] : memref<200x64xf32, #tpu.memory_space<vmem>> -> memref<72x64xf32, #tpu.memory_space<vmem>>
    %dma_start3A_76 = arith.constant 0 : i32
    %dma_start3A_77 = tpu.memref_slice %arg7[%dma_start3A_72, %dma_start3A_76] : memref<128x128xi32, #tpu.memory_space<vmem>> -> memref<1x72xi32, #tpu.memory_space<vmem>>
    %dma_start3A_78 = tpu.memref_squeeze %dma_start3A_77 : memref<1x72xi32, #tpu.memory_space<vmem>> -> memref<72xi32, #tpu.memory_space<vmem>>
    %dma_start3A_79 = arith.constant 0 : i32
    %dma_start3A_80 = arith.constant 0 : i32
    %dma_start3A_81 = tpu.memref_slice %arg4[%dma_start3A_79, %dma_start3A_80] : memref<2000000x64xf32, #tpu.memory_space<hbm>> -> memref<2000000x64xf32, #tpu.memory_space<hbm>>
    tpu.enqueue_indirect_dma source(%dma_start3A_81 : memref<2000000x64xf32, #tpu.memory_space<hbm>>) target(%dma_start3A_75 : memref<72x64xf32, #tpu.memory_space<vmem>>) offsets(%dma_start3A_78 : memref<72xi32, #tpu.memory_space<vmem>>) semaphore(%arg15 : memref<!tpu.dma_semaphore, #tpu.memory_space<semaphore_mem>>)
    %scan3A = arith.constant 0 : i32
    %scan3A_82 = arith.constant 0 : i32
    %scan3A_83 = arith.constant 31 : i32
    %scan3A_84 = arith.addi %scan3A_82, %scan3A_83 : i32
    %scan3A_85 = arith.constant 1 : i32
    %scan3A_86 = scf.for %scan3A_187 = %scan3A_82 to %scan3A_84 step %scan3A_85 iter_args(%scan3A_188 = %scan3A) -> (i32)  : i32 {
      %mul3A_189 = arith.constant 4 : i32
      %mul3A_190 = arith.muli %scan3A_187, %mul3A_189 : i32
      %add3A_191 = arith.constant 0 : i32
      %add3A_192 = arith.addi %mul3A_190, %add3A_191 : i32
      %dma_wait3A_193 = arith.constant 0 : i32
      %dma_wait3A_194 = arith.constant 0 : i32
      %dma_wait3A_195 = tpu.memref_slice %arg6[%dma_wait3A_193, %dma_wait3A_194] : memref<128x128xi32, #tpu.memory_space<vmem>> -> memref<1x200xi32, #tpu.memory_space<vmem>>
      %dma_wait3A_196 = tpu.memref_squeeze %dma_wait3A_195 : memref<1x200xi32, #tpu.memory_space<vmem>> -> memref<200xi32, #tpu.memory_space<vmem>>
      %dma_wait3A_197 = arith.constant 0 : i32
      %dma_wait3A_198 = arith.constant 0 : i32
      %dma_wait3A_199 = tpu.memref_slice %arg4[%dma_wait3A_197, %dma_wait3A_198] : memref<2000000x64xf32, #tpu.memory_space<hbm>> -> memref<2000000x64xf32, #tpu.memory_space<hbm>>
      tpu.wait_indirect_dma semaphore(%arg12 : memref<!tpu.dma_semaphore, #tpu.memory_space<semaphore_mem>>) src(%dma_wait3A_199 : memref<2000000x64xf32, #tpu.memory_space<hbm>>) dst(%arg8 : memref<200x64xf32, #tpu.memory_space<vmem>>)
      %add3A_200 = arith.addi %mul3A_2, %add3A_192 : i32
      %dma_start3A_201 = arith.constant 0 : i32
      %dma_start3A_202 = arith.constant 0 : i32
      %dma_start3A_203 = tpu.memref_slice %arg5[%add3A_200, %dma_start3A_201, %dma_start3A_202] : memref<4096x200x128xf32, #tpu.memory_space<hbm>> -> memref<1x200x64xf32, #tpu.memory_space<hbm>>
      %dma_start3A_204 = tpu.memref_squeeze %dma_start3A_203 : memref<1x200x64xf32, #tpu.memory_space<hbm>> -> memref<200x64xf32, #tpu.memory_space<hbm>>
      %dma_start3A_205 = arith.constant 0 : i32
      %dma_start3A_206 = arith.constant 0 : i32
      %dma_start3A_207 = tpu.memref_slice %arg5[%add3A_200, %dma_start3A_205, %dma_start3A_206] : memref<4096x200x128xf32, #tpu.memory_space<hbm>> -> memref<1x200x64xf32, #tpu.memory_space<hbm>>
      %dma_start3A_208 = tpu.memref_squeeze %dma_start3A_207 : memref<1x200x64xf32, #tpu.memory_space<hbm>> -> memref<200x64xf32, #tpu.memory_space<hbm>>
      tpu.enqueue_dma source(%arg8 : memref<200x64xf32, #tpu.memory_space<vmem>>) target(%dma_start3A_208 : memref<200x64xf32, #tpu.memory_space<hbm>>) target_semaphore(%arg16 : memref<!tpu.dma_semaphore, #tpu.memory_space<semaphore_mem>>)
      %dma_wait3A_209 = arith.constant 0 : i32
      %dma_wait3A_210 = arith.constant 0 : i32
      %dma_wait3A_211 = tpu.memref_slice %arg5[%mul3A_2, %dma_wait3A_209, %dma_wait3A_210] : memref<4096x200x128xf32, #tpu.memory_space<hbm>> -> memref<1x200x64xf32, #tpu.memory_space<hbm>>
      %dma_wait3A_212 = tpu.memref_squeeze %dma_wait3A_211 : memref<1x200x64xf32, #tpu.memory_space<hbm>> -> memref<200x64xf32, #tpu.memory_space<hbm>>
      %dma_wait3A_213 = arith.constant 0 : i32
      %dma_wait3A_214 = arith.constant 0 : i32
      %dma_wait3A_215 = tpu.memref_slice %arg5[%mul3A_2, %dma_wait3A_213, %dma_wait3A_214] : memref<4096x200x128xf32, #tpu.memory_space<hbm>> -> memref<1x200x64xf32, #tpu.memory_space<hbm>>
      %dma_wait3A_216 = tpu.memref_squeeze %dma_wait3A_215 : memref<1x200x64xf32, #tpu.memory_space<hbm>> -> memref<200x64xf32, #tpu.memory_space<hbm>>
      tpu.wait_dma2 semaphore(%arg16 : memref<!tpu.dma_semaphore, #tpu.memory_space<semaphore_mem>>) src(%arg8 : memref<200x64xf32, #tpu.memory_space<vmem>>) dst(%dma_wait3A_216 : memref<200x64xf32, #tpu.memory_space<hbm>>)
      %add3A_217 = arith.constant 4 : i32
      %add3A_218 = arith.addi %add3A_192, %add3A_217 : i32
      %dma_start3A_219 = arith.constant 0 : i32
      %dma_start3A_220 = arith.constant 0 : i32
      %dma_start3A_221 = tpu.memref_slice %arg8[%dma_start3A_219, %dma_start3A_220] : memref<200x64xf32, #tpu.memory_space<vmem>> -> memref<128x64xf32, #tpu.memory_space<vmem>>
      %dma_start3A_222 = arith.constant 0 : i32
      %dma_start3A_223 = tpu.memref_slice %arg6[%add3A_218, %dma_start3A_222] : memref<128x128xi32, #tpu.memory_space<vmem>> -> memref<1x128xi32, #tpu.memory_space<vmem>>
      %dma_start3A_224 = tpu.memref_squeeze %dma_start3A_223 : memref<1x128xi32, #tpu.memory_space<vmem>> -> memref<128xi32, #tpu.memory_space<vmem>>
      %dma_start3A_225 = arith.constant 0 : i32
      %dma_start3A_226 = arith.constant 0 : i32
      %dma_start3A_227 = tpu.memref_slice %arg4[%dma_start3A_225, %dma_start3A_226] : memref<2000000x64xf32, #tpu.memory_space<hbm>> -> memref<2000000x64xf32, #tpu.memory_space<hbm>>
      tpu.enqueue_indirect_dma source(%dma_start3A_227 : memref<2000000x64xf32, #tpu.memory_space<hbm>>) target(%dma_start3A_221 : memref<128x64xf32, #tpu.memory_space<vmem>>) offsets(%dma_start3A_224 : memref<128xi32, #tpu.memory_space<vmem>>) semaphore(%arg12 : memref<!tpu.dma_semaphore, #tpu.memory_space<semaphore_mem>>)
      %dma_start3A_228 = arith.constant 128 : i32
      %dma_start3A_229 = arith.constant 0 : i32
      %dma_start3A_230 = tpu.memref_slice %arg8[%dma_start3A_228, %dma_start3A_229] : memref<200x64xf32, #tpu.memory_space<vmem>> -> memref<72x64xf32, #tpu.memory_space<vmem>>
      %dma_start3A_231 = arith.constant 0 : i32
      %dma_start3A_232 = tpu.memref_slice %arg7[%add3A_218, %dma_start3A_231] : memref<128x128xi32, #tpu.memory_space<vmem>> -> memref<1x72xi32, #tpu.memory_space<vmem>>
      %dma_start3A_233 = tpu.memref_squeeze %dma_start3A_232 : memref<1x72xi32, #tpu.memory_space<vmem>> -> memref<72xi32, #tpu.memory_space<vmem>>
      %dma_start3A_234 = arith.constant 0 : i32
      %dma_start3A_235 = arith.constant 0 : i32
      %dma_start3A_236 = tpu.memref_slice %arg4[%dma_start3A_234, %dma_start3A_235] : memref<2000000x64xf32, #tpu.memory_space<hbm>> -> memref<2000000x64xf32, #tpu.memory_space<hbm>>
      tpu.enqueue_indirect_dma source(%dma_start3A_236 : memref<2000000x64xf32, #tpu.memory_space<hbm>>) target(%dma_start3A_230 : memref<72x64xf32, #tpu.memory_space<vmem>>) offsets(%dma_start3A_233 : memref<72xi32, #tpu.memory_space<vmem>>) semaphore(%arg12 : memref<!tpu.dma_semaphore, #tpu.memory_space<semaphore_mem>>)
      %mul3A_237 = arith.constant 4 : i32
      %mul3A_238 = arith.muli %scan3A_187, %mul3A_237 : i32
      %add3A_239 = arith.constant 1 : i32
      %add3A_240 = arith.addi %mul3A_238, %add3A_239 : i32
      %dma_wait3A_241 = arith.constant 0 : i32
      %dma_wait3A_242 = arith.constant 0 : i32
      %dma_wait3A_243 = tpu.memref_slice %arg6[%dma_wait3A_241, %dma_wait3A_242] : memref<128x128xi32, #tpu.memory_space<vmem>> -> memref<1x200xi32, #tpu.memory_space<vmem>>
      %dma_wait3A_244 = tpu.memref_squeeze %dma_wait3A_243 : memref<1x200xi32, #tpu.memory_space<vmem>> -> memref<200xi32, #tpu.memory_space<vmem>>
      %dma_wait3A_245 = arith.constant 0 : i32
      %dma_wait3A_246 = arith.constant 0 : i32
      %dma_wait3A_247 = tpu.memref_slice %arg4[%dma_wait3A_245, %dma_wait3A_246] : memref<2000000x64xf32, #tpu.memory_space<hbm>> -> memref<2000000x64xf32, #tpu.memory_space<hbm>>
      tpu.wait_indirect_dma semaphore(%arg13 : memref<!tpu.dma_semaphore, #tpu.memory_space<semaphore_mem>>) src(%dma_wait3A_247 : memref<2000000x64xf32, #tpu.memory_space<hbm>>) dst(%arg9 : memref<200x64xf32, #tpu.memory_space<vmem>>)
      %add3A_248 = arith.addi %mul3A_2, %add3A_240 : i32
      %dma_start3A_249 = arith.constant 0 : i32
      %dma_start3A_250 = arith.constant 0 : i32
      %dma_start3A_251 = tpu.memref_slice %arg5[%add3A_248, %dma_start3A_249, %dma_start3A_250] : memref<4096x200x128xf32, #tpu.memory_space<hbm>> -> memref<1x200x64xf32, #tpu.memory_space<hbm>>
      %dma_start3A_252 = tpu.memref_squeeze %dma_start3A_251 : memref<1x200x64xf32, #tpu.memory_space<hbm>> -> memref<200x64xf32, #tpu.memory_space<hbm>>
      %dma_start3A_253 = arith.constant 0 : i32
      %dma_start3A_254 = arith.constant 0 : i32
      %dma_start3A_255 = tpu.memref_slice %arg5[%add3A_248, %dma_start3A_253, %dma_start3A_254] : memref<4096x200x128xf32, #tpu.memory_space<hbm>> -> memref<1x200x64xf32, #tpu.memory_space<hbm>>
      %dma_start3A_256 = tpu.memref_squeeze %dma_start3A_255 : memref<1x200x64xf32, #tpu.memory_space<hbm>> -> memref<200x64xf32, #tpu.memory_space<hbm>>
      tpu.enqueue_dma source(%arg9 : memref<200x64xf32, #tpu.memory_space<vmem>>) target(%dma_start3A_256 : memref<200x64xf32, #tpu.memory_space<hbm>>) target_semaphore(%arg17 : memref<!tpu.dma_semaphore, #tpu.memory_space<semaphore_mem>>)
      %dma_wait3A_257 = arith.constant 0 : i32
      %dma_wait3A_258 = arith.constant 0 : i32
      %dma_wait3A_259 = tpu.memref_slice %arg5[%mul3A_2, %dma_wait3A_257, %dma_wait3A_258] : memref<4096x200x128xf32, #tpu.memory_space<hbm>> -> memref<1x200x64xf32, #tpu.memory_space<hbm>>
      %dma_wait3A_260 = tpu.memref_squeeze %dma_wait3A_259 : memref<1x200x64xf32, #tpu.memory_space<hbm>> -> memref<200x64xf32, #tpu.memory_space<hbm>>
      %dma_wait3A_261 = arith.constant 0 : i32
      %dma_wait3A_262 = arith.constant 0 : i32
      %dma_wait3A_263 = tpu.memref_slice %arg5[%mul3A_2, %dma_wait3A_261, %dma_wait3A_262] : memref<4096x200x128xf32, #tpu.memory_space<hbm>> -> memref<1x200x64xf32, #tpu.memory_space<hbm>>
      %dma_wait3A_264 = tpu.memref_squeeze %dma_wait3A_263 : memref<1x200x64xf32, #tpu.memory_space<hbm>> -> memref<200x64xf32, #tpu.memory_space<hbm>>
      tpu.wait_dma2 semaphore(%arg17 : memref<!tpu.dma_semaphore, #tpu.memory_space<semaphore_mem>>) src(%arg9 : memref<200x64xf32, #tpu.memory_space<vmem>>) dst(%dma_wait3A_264 : memref<200x64xf32, #tpu.memory_space<hbm>>)
      %add3A_265 = arith.constant 4 : i32
      %add3A_266 = arith.addi %add3A_240, %add3A_265 : i32
      %dma_start3A_267 = arith.constant 0 : i32
      %dma_start3A_268 = arith.constant 0 : i32
      %dma_start3A_269 = tpu.memref_slice %arg9[%dma_start3A_267, %dma_start3A_268] : memref<200x64xf32, #tpu.memory_space<vmem>> -> memref<128x64xf32, #tpu.memory_space<vmem>>
      %dma_start3A_270 = arith.constant 0 : i32
      %dma_start3A_271 = tpu.memref_slice %arg6[%add3A_266, %dma_start3A_270] : memref<128x128xi32, #tpu.memory_space<vmem>> -> memref<1x128xi32, #tpu.memory_space<vmem>>
      %dma_start3A_272 = tpu.memref_squeeze %dma_start3A_271 : memref<1x128xi32, #tpu.memory_space<vmem>> -> memref<128xi32, #tpu.memory_space<vmem>>
      %dma_start3A_273 = arith.constant 0 : i32
      %dma_start3A_274 = arith.constant 0 : i32
      %dma_start3A_275 = tpu.memref_slice %arg4[%dma_start3A_273, %dma_start3A_274] : memref<2000000x64xf32, #tpu.memory_space<hbm>> -> memref<2000000x64xf32, #tpu.memory_space<hbm>>
      tpu.enqueue_indirect_dma source(%dma_start3A_275 : memref<2000000x64xf32, #tpu.memory_space<hbm>>) target(%dma_start3A_269 : memref<128x64xf32, #tpu.memory_space<vmem>>) offsets(%dma_start3A_272 : memref<128xi32, #tpu.memory_space<vmem>>) semaphore(%arg13 : memref<!tpu.dma_semaphore, #tpu.memory_space<semaphore_mem>>)
      %dma_start3A_276 = arith.constant 128 : i32
      %dma_start3A_277 = arith.constant 0 : i32
      %dma_start3A_278 = tpu.memref_slice %arg9[%dma_start3A_276, %dma_start3A_277] : memref<200x64xf32, #tpu.memory_space<vmem>> -> memref<72x64xf32, #tpu.memory_space<vmem>>
      %dma_start3A_279 = arith.constant 0 : i32
      %dma_start3A_280 = tpu.memref_slice %arg7[%add3A_266, %dma_start3A_279] : memref<128x128xi32, #tpu.memory_space<vmem>> -> memref<1x72xi32, #tpu.memory_space<vmem>>
      %dma_start3A_281 = tpu.memref_squeeze %dma_start3A_280 : memref<1x72xi32, #tpu.memory_space<vmem>> -> memref<72xi32, #tpu.memory_space<vmem>>
      %dma_start3A_282 = arith.constant 0 : i32
      %dma_start3A_283 = arith.constant 0 : i32
      %dma_start3A_284 = tpu.memref_slice %arg4[%dma_start3A_282, %dma_start3A_283] : memref<2000000x64xf32, #tpu.memory_space<hbm>> -> memref<2000000x64xf32, #tpu.memory_space<hbm>>
      tpu.enqueue_indirect_dma source(%dma_start3A_284 : memref<2000000x64xf32, #tpu.memory_space<hbm>>) target(%dma_start3A_278 : memref<72x64xf32, #tpu.memory_space<vmem>>) offsets(%dma_start3A_281 : memref<72xi32, #tpu.memory_space<vmem>>) semaphore(%arg13 : memref<!tpu.dma_semaphore, #tpu.memory_space<semaphore_mem>>)
      %mul3A_285 = arith.constant 4 : i32
      %mul3A_286 = arith.muli %scan3A_187, %mul3A_285 : i32
      %add3A_287 = arith.constant 2 : i32
      %add3A_288 = arith.addi %mul3A_286, %add3A_287 : i32
      %dma_wait3A_289 = arith.constant 0 : i32
      %dma_wait3A_290 = arith.constant 0 : i32
      %dma_wait3A_291 = tpu.memref_slice %arg6[%dma_wait3A_289, %dma_wait3A_290] : memref<128x128xi32, #tpu.memory_space<vmem>> -> memref<1x200xi32, #tpu.memory_space<vmem>>
      %dma_wait3A_292 = tpu.memref_squeeze %dma_wait3A_291 : memref<1x200xi32, #tpu.memory_space<vmem>> -> memref<200xi32, #tpu.memory_space<vmem>>
      %dma_wait3A_293 = arith.constant 0 : i32
      %dma_wait3A_294 = arith.constant 0 : i32
      %dma_wait3A_295 = tpu.memref_slice %arg4[%dma_wait3A_293, %dma_wait3A_294] : memref<2000000x64xf32, #tpu.memory_space<hbm>> -> memref<2000000x64xf32, #tpu.memory_space<hbm>>
      tpu.wait_indirect_dma semaphore(%arg14 : memref<!tpu.dma_semaphore, #tpu.memory_space<semaphore_mem>>) src(%dma_wait3A_295 : memref<2000000x64xf32, #tpu.memory_space<hbm>>) dst(%arg10 : memref<200x64xf32, #tpu.memory_space<vmem>>)
      %add3A_296 = arith.addi %mul3A_2, %add3A_288 : i32
      %dma_start3A_297 = arith.constant 0 : i32
      %dma_start3A_298 = arith.constant 0 : i32
      %dma_start3A_299 = tpu.memref_slice %arg5[%add3A_296, %dma_start3A_297, %dma_start3A_298] : memref<4096x200x128xf32, #tpu.memory_space<hbm>> -> memref<1x200x64xf32, #tpu.memory_space<hbm>>
      %dma_start3A_300 = tpu.memref_squeeze %dma_start3A_299 : memref<1x200x64xf32, #tpu.memory_space<hbm>> -> memref<200x64xf32, #tpu.memory_space<hbm>>
      %dma_start3A_301 = arith.constant 0 : i32
      %dma_start3A_302 = arith.constant 0 : i32
      %dma_start3A_303 = tpu.memref_slice %arg5[%add3A_296, %dma_start3A_301, %dma_start3A_302] : memref<4096x200x128xf32, #tpu.memory_space<hbm>> -> memref<1x200x64xf32, #tpu.memory_space<hbm>>
      %dma_start3A_304 = tpu.memref_squeeze %dma_start3A_303 : memref<1x200x64xf32, #tpu.memory_space<hbm>> -> memref<200x64xf32, #tpu.memory_space<hbm>>
      tpu.enqueue_dma source(%arg10 : memref<200x64xf32, #tpu.memory_space<vmem>>) target(%dma_start3A_304 : memref<200x64xf32, #tpu.memory_space<hbm>>) target_semaphore(%arg18 : memref<!tpu.dma_semaphore, #tpu.memory_space<semaphore_mem>>)
      %dma_wait3A_305 = arith.constant 0 : i32
      %dma_wait3A_306 = arith.constant 0 : i32
      %dma_wait3A_307 = tpu.memref_slice %arg5[%mul3A_2, %dma_wait3A_305, %dma_wait3A_306] : memref<4096x200x128xf32, #tpu.memory_space<hbm>> -> memref<1x200x64xf32, #tpu.memory_space<hbm>>
      %dma_wait3A_308 = tpu.memref_squeeze %dma_wait3A_307 : memref<1x200x64xf32, #tpu.memory_space<hbm>> -> memref<200x64xf32, #tpu.memory_space<hbm>>
      %dma_wait3A_309 = arith.constant 0 : i32
      %dma_wait3A_310 = arith.constant 0 : i32
      %dma_wait3A_311 = tpu.memref_slice %arg5[%mul3A_2, %dma_wait3A_309, %dma_wait3A_310] : memref<4096x200x128xf32, #tpu.memory_space<hbm>> -> memref<1x200x64xf32, #tpu.memory_space<hbm>>
      %dma_wait3A_312 = tpu.memref_squeeze %dma_wait3A_311 : memref<1x200x64xf32, #tpu.memory_space<hbm>> -> memref<200x64xf32, #tpu.memory_space<hbm>>
      tpu.wait_dma2 semaphore(%arg18 : memref<!tpu.dma_semaphore, #tpu.memory_space<semaphore_mem>>) src(%arg10 : memref<200x64xf32, #tpu.memory_space<vmem>>) dst(%dma_wait3A_312 : memref<200x64xf32, #tpu.memory_space<hbm>>)
      %add3A_313 = arith.constant 4 : i32
      %add3A_314 = arith.addi %add3A_288, %add3A_313 : i32
      %dma_start3A_315 = arith.constant 0 : i32
      %dma_start3A_316 = arith.constant 0 : i32
      %dma_start3A_317 = tpu.memref_slice %arg10[%dma_start3A_315, %dma_start3A_316] : memref<200x64xf32, #tpu.memory_space<vmem>> -> memref<128x64xf32, #tpu.memory_space<vmem>>
      %dma_start3A_318 = arith.constant 0 : i32
      %dma_start3A_319 = tpu.memref_slice %arg6[%add3A_314, %dma_start3A_318] : memref<128x128xi32, #tpu.memory_space<vmem>> -> memref<1x128xi32, #tpu.memory_space<vmem>>
      %dma_start3A_320 = tpu.memref_squeeze %dma_start3A_319 : memref<1x128xi32, #tpu.memory_space<vmem>> -> memref<128xi32, #tpu.memory_space<vmem>>
      %dma_start3A_321 = arith.constant 0 : i32
      %dma_start3A_322 = arith.constant 0 : i32
      %dma_start3A_323 = tpu.memref_slice %arg4[%dma_start3A_321, %dma_start3A_322] : memref<2000000x64xf32, #tpu.memory_space<hbm>> -> memref<2000000x64xf32, #tpu.memory_space<hbm>>
      tpu.enqueue_indirect_dma source(%dma_start3A_323 : memref<2000000x64xf32, #tpu.memory_space<hbm>>) target(%dma_start3A_317 : memref<128x64xf32, #tpu.memory_space<vmem>>) offsets(%dma_start3A_320 : memref<128xi32, #tpu.memory_space<vmem>>) semaphore(%arg14 : memref<!tpu.dma_semaphore, #tpu.memory_space<semaphore_mem>>)
      %dma_start3A_324 = arith.constant 128 : i32
      %dma_start3A_325 = arith.constant 0 : i32
      %dma_start3A_326 = tpu.memref_slice %arg10[%dma_start3A_324, %dma_start3A_325] : memref<200x64xf32, #tpu.memory_space<vmem>> -> memref<72x64xf32, #tpu.memory_space<vmem>>
      %dma_start3A_327 = arith.constant 0 : i32
      %dma_start3A_328 = tpu.memref_slice %arg7[%add3A_314, %dma_start3A_327] : memref<128x128xi32, #tpu.memory_space<vmem>> -> memref<1x72xi32, #tpu.memory_space<vmem>>
      %dma_start3A_329 = tpu.memref_squeeze %dma_start3A_328 : memref<1x72xi32, #tpu.memory_space<vmem>> -> memref<72xi32, #tpu.memory_space<vmem>>
      %dma_start3A_330 = arith.constant 0 : i32
      %dma_start3A_331 = arith.constant 0 : i32
      %dma_start3A_332 = tpu.memref_slice %arg4[%dma_start3A_330, %dma_start3A_331] : memref<2000000x64xf32, #tpu.memory_space<hbm>> -> memref<2000000x64xf32, #tpu.memory_space<hbm>>
      tpu.enqueue_indirect_dma source(%dma_start3A_332 : memref<2000000x64xf32, #tpu.memory_space<hbm>>) target(%dma_start3A_326 : memref<72x64xf32, #tpu.memory_space<vmem>>) offsets(%dma_start3A_329 : memref<72xi32, #tpu.memory_space<vmem>>) semaphore(%arg14 : memref<!tpu.dma_semaphore, #tpu.memory_space<semaphore_mem>>)
      %mul3A_333 = arith.constant 4 : i32
      %mul3A_334 = arith.muli %scan3A_187, %mul3A_333 : i32
      %add3A_335 = arith.constant 3 : i32
      %add3A_336 = arith.addi %mul3A_334, %add3A_335 : i32
      %dma_wait3A_337 = arith.constant 0 : i32
      %dma_wait3A_338 = arith.constant 0 : i32
      %dma_wait3A_339 = tpu.memref_slice %arg6[%dma_wait3A_337, %dma_wait3A_338] : memref<128x128xi32, #tpu.memory_space<vmem>> -> memref<1x200xi32, #tpu.memory_space<vmem>>
      %dma_wait3A_340 = tpu.memref_squeeze %dma_wait3A_339 : memref<1x200xi32, #tpu.memory_space<vmem>> -> memref<200xi32, #tpu.memory_space<vmem>>
      %dma_wait3A_341 = arith.constant 0 : i32
      %dma_wait3A_342 = arith.constant 0 : i32
      %dma_wait3A_343 = tpu.memref_slice %arg4[%dma_wait3A_341, %dma_wait3A_342] : memref<2000000x64xf32, #tpu.memory_space<hbm>> -> memref<2000000x64xf32, #tpu.memory_space<hbm>>
      tpu.wait_indirect_dma semaphore(%arg15 : memref<!tpu.dma_semaphore, #tpu.memory_space<semaphore_mem>>) src(%dma_wait3A_343 : memref<2000000x64xf32, #tpu.memory_space<hbm>>) dst(%arg11 : memref<200x64xf32, #tpu.memory_space<vmem>>)
      %add3A_344 = arith.addi %mul3A_2, %add3A_336 : i32
      %dma_start3A_345 = arith.constant 0 : i32
      %dma_start3A_346 = arith.constant 0 : i32
      %dma_start3A_347 = tpu.memref_slice %arg5[%add3A_344, %dma_start3A_345, %dma_start3A_346] : memref<4096x200x128xf32, #tpu.memory_space<hbm>> -> memref<1x200x64xf32, #tpu.memory_space<hbm>>
      %dma_start3A_348 = tpu.memref_squeeze %dma_start3A_347 : memref<1x200x64xf32, #tpu.memory_space<hbm>> -> memref<200x64xf32, #tpu.memory_space<hbm>>
      %dma_start3A_349 = arith.constant 0 : i32
      %dma_start3A_350 = arith.constant 0 : i32
      %dma_start3A_351 = tpu.memref_slice %arg5[%add3A_344, %dma_start3A_349, %dma_start3A_350] : memref<4096x200x128xf32, #tpu.memory_space<hbm>> -> memref<1x200x64xf32, #tpu.memory_space<hbm>>
      %dma_start3A_352 = tpu.memref_squeeze %dma_start3A_351 : memref<1x200x64xf32, #tpu.memory_space<hbm>> -> memref<200x64xf32, #tpu.memory_space<hbm>>
      tpu.enqueue_dma source(%arg11 : memref<200x64xf32, #tpu.memory_space<vmem>>) target(%dma_start3A_352 : memref<200x64xf32, #tpu.memory_space<hbm>>) target_semaphore(%arg19 : memref<!tpu.dma_semaphore, #tpu.memory_space<semaphore_mem>>)
      %dma_wait3A_353 = arith.constant 0 : i32
      %dma_wait3A_354 = arith.constant 0 : i32
      %dma_wait3A_355 = tpu.memref_slice %arg5[%mul3A_2, %dma_wait3A_353, %dma_wait3A_354] : memref<4096x200x128xf32, #tpu.memory_space<hbm>> -> memref<1x200x64xf32, #tpu.memory_space<hbm>>
      %dma_wait3A_356 = tpu.memref_squeeze %dma_wait3A_355 : memref<1x200x64xf32, #tpu.memory_space<hbm>> -> memref<200x64xf32, #tpu.memory_space<hbm>>
      %dma_wait3A_357 = arith.constant 0 : i32
      %dma_wait3A_358 = arith.constant 0 : i32
      %dma_wait3A_359 = tpu.memref_slice %arg5[%mul3A_2, %dma_wait3A_357, %dma_wait3A_358] : memref<4096x200x128xf32, #tpu.memory_space<hbm>> -> memref<1x200x64xf32, #tpu.memory_space<hbm>>
      %dma_wait3A_360 = tpu.memref_squeeze %dma_wait3A_359 : memref<1x200x64xf32, #tpu.memory_space<hbm>> -> memref<200x64xf32, #tpu.memory_space<hbm>>
      tpu.wait_dma2 semaphore(%arg19 : memref<!tpu.dma_semaphore, #tpu.memory_space<semaphore_mem>>) src(%arg11 : memref<200x64xf32, #tpu.memory_space<vmem>>) dst(%dma_wait3A_360 : memref<200x64xf32, #tpu.memory_space<hbm>>)
      %add3A_361 = arith.constant 4 : i32
      %add3A_362 = arith.addi %add3A_336, %add3A_361 : i32
      %dma_start3A_363 = arith.constant 0 : i32
      %dma_start3A_364 = arith.constant 0 : i32
      %dma_start3A_365 = tpu.memref_slice %arg11[%dma_start3A_363, %dma_start3A_364] : memref<200x64xf32, #tpu.memory_space<vmem>> -> memref<128x64xf32, #tpu.memory_space<vmem>>
      %dma_start3A_366 = arith.constant 0 : i32
      %dma_start3A_367 = tpu.memref_slice %arg6[%add3A_362, %dma_start3A_366] : memref<128x128xi32, #tpu.memory_space<vmem>> -> memref<1x128xi32, #tpu.memory_space<vmem>>
      %dma_start3A_368 = tpu.memref_squeeze %dma_start3A_367 : memref<1x128xi32, #tpu.memory_space<vmem>> -> memref<128xi32, #tpu.memory_space<vmem>>
      %dma_start3A_369 = arith.constant 0 : i32
      %dma_start3A_370 = arith.constant 0 : i32
      %dma_start3A_371 = tpu.memref_slice %arg4[%dma_start3A_369, %dma_start3A_370] : memref<2000000x64xf32, #tpu.memory_space<hbm>> -> memref<2000000x64xf32, #tpu.memory_space<hbm>>
      tpu.enqueue_indirect_dma source(%dma_start3A_371 : memref<2000000x64xf32, #tpu.memory_space<hbm>>) target(%dma_start3A_365 : memref<128x64xf32, #tpu.memory_space<vmem>>) offsets(%dma_start3A_368 : memref<128xi32, #tpu.memory_space<vmem>>) semaphore(%arg15 : memref<!tpu.dma_semaphore, #tpu.memory_space<semaphore_mem>>)
      %dma_start3A_372 = arith.constant 128 : i32
      %dma_start3A_373 = arith.constant 0 : i32
      %dma_start3A_374 = tpu.memref_slice %arg11[%dma_start3A_372, %dma_start3A_373] : memref<200x64xf32, #tpu.memory_space<vmem>> -> memref<72x64xf32, #tpu.memory_space<vmem>>
      %dma_start3A_375 = arith.constant 0 : i32
      %dma_start3A_376 = tpu.memref_slice %arg7[%add3A_362, %dma_start3A_375] : memref<128x128xi32, #tpu.memory_space<vmem>> -> memref<1x72xi32, #tpu.memory_space<vmem>>
      %dma_start3A_377 = tpu.memref_squeeze %dma_start3A_376 : memref<1x72xi32, #tpu.memory_space<vmem>> -> memref<72xi32, #tpu.memory_space<vmem>>
      %dma_start3A_378 = arith.constant 0 : i32
      %dma_start3A_379 = arith.constant 0 : i32
      %dma_start3A_380 = tpu.memref_slice %arg4[%dma_start3A_378, %dma_start3A_379] : memref<2000000x64xf32, #tpu.memory_space<hbm>> -> memref<2000000x64xf32, #tpu.memory_space<hbm>>
      tpu.enqueue_indirect_dma source(%dma_start3A_380 : memref<2000000x64xf32, #tpu.memory_space<hbm>>) target(%dma_start3A_374 : memref<72x64xf32, #tpu.memory_space<vmem>>) offsets(%dma_start3A_377 : memref<72xi32, #tpu.memory_space<vmem>>) semaphore(%arg15 : memref<!tpu.dma_semaphore, #tpu.memory_space<semaphore_mem>>)
      %scan3A_381 = arith.constant 0 : i32
      scf.yield %scan3A_381 : i32
    }
    %scan3A_87 = arith.constant 31 : i32
    %dma_wait3A = arith.constant 0 : i32
    %dma_wait3A_88 = arith.constant 0 : i32
    %dma_wait3A_89 = tpu.memref_slice %arg6[%dma_wait3A, %dma_wait3A_88] : memref<128x128xi32, #tpu.memory_space<vmem>> -> memref<1x200xi32, #tpu.memory_space<vmem>>
    %dma_wait3A_90 = tpu.memref_squeeze %dma_wait3A_89 : memref<1x200xi32, #tpu.memory_space<vmem>> -> memref<200xi32, #tpu.memory_space<vmem>>
    %dma_wait3A_91 = arith.constant 0 : i32
    %dma_wait3A_92 = arith.constant 0 : i32
    %dma_wait3A_93 = tpu.memref_slice %arg4[%dma_wait3A_91, %dma_wait3A_92] : memref<2000000x64xf32, #tpu.memory_space<hbm>> -> memref<2000000x64xf32, #tpu.memory_space<hbm>>
    tpu.wait_indirect_dma semaphore(%arg12 : memref<!tpu.dma_semaphore, #tpu.memory_space<semaphore_mem>>) src(%dma_wait3A_93 : memref<2000000x64xf32, #tpu.memory_space<hbm>>) dst(%arg8 : memref<200x64xf32, #tpu.memory_space<vmem>>)
    %add3A_94 = arith.constant 124 : i32
    %add3A_95 = arith.addi %mul3A_2, %add3A_94 : i32
    %dma_start3A_96 = arith.constant 0 : i32
    %dma_start3A_97 = arith.constant 0 : i32
    %dma_start3A_98 = tpu.memref_slice %arg5[%add3A_95, %dma_start3A_96, %dma_start3A_97] : memref<4096x200x128xf32, #tpu.memory_space<hbm>> -> memref<1x200x64xf32, #tpu.memory_space<hbm>>
    %dma_start3A_99 = tpu.memref_squeeze %dma_start3A_98 : memref<1x200x64xf32, #tpu.memory_space<hbm>> -> memref<200x64xf32, #tpu.memory_space<hbm>>
    %dma_start3A_100 = arith.constant 0 : i32
    %dma_start3A_101 = arith.constant 0 : i32
    %dma_start3A_102 = tpu.memref_slice %arg5[%add3A_95, %dma_start3A_100, %dma_start3A_101] : memref<4096x200x128xf32, #tpu.memory_space<hbm>> -> memref<1x200x64xf32, #tpu.memory_space<hbm>>
    %dma_start3A_103 = tpu.memref_squeeze %dma_start3A_102 : memref<1x200x64xf32, #tpu.memory_space<hbm>> -> memref<200x64xf32, #tpu.memory_space<hbm>>
    tpu.enqueue_dma source(%arg8 : memref<200x64xf32, #tpu.memory_space<vmem>>) target(%dma_start3A_103 : memref<200x64xf32, #tpu.memory_space<hbm>>) target_semaphore(%arg16 : memref<!tpu.dma_semaphore, #tpu.memory_space<semaphore_mem>>)
    %dma_wait3A_104 = arith.constant 0 : i32
    %dma_wait3A_105 = arith.constant 0 : i32
    %dma_wait3A_106 = tpu.memref_slice %arg5[%mul3A_2, %dma_wait3A_104, %dma_wait3A_105] : memref<4096x200x128xf32, #tpu.memory_space<hbm>> -> memref<1x200x64xf32, #tpu.memory_space<hbm>>
    %dma_wait3A_107 = tpu.memref_squeeze %dma_wait3A_106 : memref<1x200x64xf32, #tpu.memory_space<hbm>> -> memref<200x64xf32, #tpu.memory_space<hbm>>
    %dma_wait3A_108 = arith.constant 0 : i32
    %dma_wait3A_109 = arith.constant 0 : i32
    %dma_wait3A_110 = tpu.memref_slice %arg5[%mul3A_2, %dma_wait3A_108, %dma_wait3A_109] : memref<4096x200x128xf32, #tpu.memory_space<hbm>> -> memref<1x200x64xf32, #tpu.memory_space<hbm>>
    %dma_wait3A_111 = tpu.memref_squeeze %dma_wait3A_110 : memref<1x200x64xf32, #tpu.memory_space<hbm>> -> memref<200x64xf32, #tpu.memory_space<hbm>>
    tpu.wait_dma2 semaphore(%arg16 : memref<!tpu.dma_semaphore, #tpu.memory_space<semaphore_mem>>) src(%arg8 : memref<200x64xf32, #tpu.memory_space<vmem>>) dst(%dma_wait3A_111 : memref<200x64xf32, #tpu.memory_space<hbm>>)
    %dma_wait3A_112 = arith.constant 0 : i32
    %dma_wait3A_113 = arith.constant 0 : i32
    %dma_wait3A_114 = tpu.memref_slice %arg6[%dma_wait3A_112, %dma_wait3A_113] : memref<128x128xi32, #tpu.memory_space<vmem>> -> memref<1x200xi32, #tpu.memory_space<vmem>>
    %dma_wait3A_115 = tpu.memref_squeeze %dma_wait3A_114 : memref<1x200xi32, #tpu.memory_space<vmem>> -> memref<200xi32, #tpu.memory_space<vmem>>
    %dma_wait3A_116 = arith.constant 0 : i32
    %dma_wait3A_117 = arith.constant 0 : i32
    %dma_wait3A_118 = tpu.memref_slice %arg4[%dma_wait3A_116, %dma_wait3A_117] : memref<2000000x64xf32, #tpu.memory_space<hbm>> -> memref<2000000x64xf32, #tpu.memory_space<hbm>>
    tpu.wait_indirect_dma semaphore(%arg13 : memref<!tpu.dma_semaphore, #tpu.memory_space<semaphore_mem>>) src(%dma_wait3A_118 : memref<2000000x64xf32, #tpu.memory_space<hbm>>) dst(%arg9 : memref<200x64xf32, #tpu.memory_space<vmem>>)
    %add3A_119 = arith.constant 125 : i32
    %add3A_120 = arith.addi %mul3A_2, %add3A_119 : i32
    %dma_start3A_121 = arith.constant 0 : i32
    %dma_start3A_122 = arith.constant 0 : i32
    %dma_start3A_123 = tpu.memref_slice %arg5[%add3A_120, %dma_start3A_121, %dma_start3A_122] : memref<4096x200x128xf32, #tpu.memory_space<hbm>> -> memref<1x200x64xf32, #tpu.memory_space<hbm>>
    %dma_start3A_124 = tpu.memref_squeeze %dma_start3A_123 : memref<1x200x64xf32, #tpu.memory_space<hbm>> -> memref<200x64xf32, #tpu.memory_space<hbm>>
    %dma_start3A_125 = arith.constant 0 : i32
    %dma_start3A_126 = arith.constant 0 : i32
    %dma_start3A_127 = tpu.memref_slice %arg5[%add3A_120, %dma_start3A_125, %dma_start3A_126] : memref<4096x200x128xf32, #tpu.memory_space<hbm>> -> memref<1x200x64xf32, #tpu.memory_space<hbm>>
    %dma_start3A_128 = tpu.memref_squeeze %dma_start3A_127 : memref<1x200x64xf32, #tpu.memory_space<hbm>> -> memref<200x64xf32, #tpu.memory_space<hbm>>
    tpu.enqueue_dma source(%arg9 : memref<200x64xf32, #tpu.memory_space<vmem>>) target(%dma_start3A_128 : memref<200x64xf32, #tpu.memory_space<hbm>>) target_semaphore(%arg17 : memref<!tpu.dma_semaphore, #tpu.memory_space<semaphore_mem>>)
    %dma_wait3A_129 = arith.constant 0 : i32
    %dma_wait3A_130 = arith.constant 0 : i32
    %dma_wait3A_131 = tpu.memref_slice %arg5[%mul3A_2, %dma_wait3A_129, %dma_wait3A_130] : memref<4096x200x128xf32, #tpu.memory_space<hbm>> -> memref<1x200x64xf32, #tpu.memory_space<hbm>>
    %dma_wait3A_132 = tpu.memref_squeeze %dma_wait3A_131 : memref<1x200x64xf32, #tpu.memory_space<hbm>> -> memref<200x64xf32, #tpu.memory_space<hbm>>
    %dma_wait3A_133 = arith.constant 0 : i32
    %dma_wait3A_134 = arith.constant 0 : i32
    %dma_wait3A_135 = tpu.memref_slice %arg5[%mul3A_2, %dma_wait3A_133, %dma_wait3A_134] : memref<4096x200x128xf32, #tpu.memory_space<hbm>> -> memref<1x200x64xf32, #tpu.memory_space<hbm>>
    %dma_wait3A_136 = tpu.memref_squeeze %dma_wait3A_135 : memref<1x200x64xf32, #tpu.memory_space<hbm>> -> memref<200x64xf32, #tpu.memory_space<hbm>>
    tpu.wait_dma2 semaphore(%arg17 : memref<!tpu.dma_semaphore, #tpu.memory_space<semaphore_mem>>) src(%arg9 : memref<200x64xf32, #tpu.memory_space<vmem>>) dst(%dma_wait3A_136 : memref<200x64xf32, #tpu.memory_space<hbm>>)
    %dma_wait3A_137 = arith.constant 0 : i32
    %dma_wait3A_138 = arith.constant 0 : i32
    %dma_wait3A_139 = tpu.memref_slice %arg6[%dma_wait3A_137, %dma_wait3A_138] : memref<128x128xi32, #tpu.memory_space<vmem>> -> memref<1x200xi32, #tpu.memory_space<vmem>>
    %dma_wait3A_140 = tpu.memref_squeeze %dma_wait3A_139 : memref<1x200xi32, #tpu.memory_space<vmem>> -> memref<200xi32, #tpu.memory_space<vmem>>
    %dma_wait3A_141 = arith.constant 0 : i32
    %dma_wait3A_142 = arith.constant 0 : i32
    %dma_wait3A_143 = tpu.memref_slice %arg4[%dma_wait3A_141, %dma_wait3A_142] : memref<2000000x64xf32, #tpu.memory_space<hbm>> -> memref<2000000x64xf32, #tpu.memory_space<hbm>>
    tpu.wait_indirect_dma semaphore(%arg14 : memref<!tpu.dma_semaphore, #tpu.memory_space<semaphore_mem>>) src(%dma_wait3A_143 : memref<2000000x64xf32, #tpu.memory_space<hbm>>) dst(%arg10 : memref<200x64xf32, #tpu.memory_space<vmem>>)
    %add3A_144 = arith.constant 126 : i32
    %add3A_145 = arith.addi %mul3A_2, %add3A_144 : i32
    %dma_start3A_146 = arith.constant 0 : i32
    %dma_start3A_147 = arith.constant 0 : i32
    %dma_start3A_148 = tpu.memref_slice %arg5[%add3A_145, %dma_start3A_146, %dma_start3A_147] : memref<4096x200x128xf32, #tpu.memory_space<hbm>> -> memref<1x200x64xf32, #tpu.memory_space<hbm>>
    %dma_start3A_149 = tpu.memref_squeeze %dma_start3A_148 : memref<1x200x64xf32, #tpu.memory_space<hbm>> -> memref<200x64xf32, #tpu.memory_space<hbm>>
    %dma_start3A_150 = arith.constant 0 : i32
    %dma_start3A_151 = arith.constant 0 : i32
    %dma_start3A_152 = tpu.memref_slice %arg5[%add3A_145, %dma_start3A_150, %dma_start3A_151] : memref<4096x200x128xf32, #tpu.memory_space<hbm>> -> memref<1x200x64xf32, #tpu.memory_space<hbm>>
    %dma_start3A_153 = tpu.memref_squeeze %dma_start3A_152 : memref<1x200x64xf32, #tpu.memory_space<hbm>> -> memref<200x64xf32, #tpu.memory_space<hbm>>
    tpu.enqueue_dma source(%arg10 : memref<200x64xf32, #tpu.memory_space<vmem>>) target(%dma_start3A_153 : memref<200x64xf32, #tpu.memory_space<hbm>>) target_semaphore(%arg18 : memref<!tpu.dma_semaphore, #tpu.memory_space<semaphore_mem>>)
    %dma_wait3A_154 = arith.constant 0 : i32
    %dma_wait3A_155 = arith.constant 0 : i32
    %dma_wait3A_156 = tpu.memref_slice %arg5[%mul3A_2, %dma_wait3A_154, %dma_wait3A_155] : memref<4096x200x128xf32, #tpu.memory_space<hbm>> -> memref<1x200x64xf32, #tpu.memory_space<hbm>>
    %dma_wait3A_157 = tpu.memref_squeeze %dma_wait3A_156 : memref<1x200x64xf32, #tpu.memory_space<hbm>> -> memref<200x64xf32, #tpu.memory_space<hbm>>
    %dma_wait3A_158 = arith.constant 0 : i32
    %dma_wait3A_159 = arith.constant 0 : i32
    %dma_wait3A_160 = tpu.memref_slice %arg5[%mul3A_2, %dma_wait3A_158, %dma_wait3A_159] : memref<4096x200x128xf32, #tpu.memory_space<hbm>> -> memref<1x200x64xf32, #tpu.memory_space<hbm>>
    %dma_wait3A_161 = tpu.memref_squeeze %dma_wait3A_160 : memref<1x200x64xf32, #tpu.memory_space<hbm>> -> memref<200x64xf32, #tpu.memory_space<hbm>>
    tpu.wait_dma2 semaphore(%arg18 : memref<!tpu.dma_semaphore, #tpu.memory_space<semaphore_mem>>) src(%arg10 : memref<200x64xf32, #tpu.memory_space<vmem>>) dst(%dma_wait3A_161 : memref<200x64xf32, #tpu.memory_space<hbm>>)
    %dma_wait3A_162 = arith.constant 0 : i32
    %dma_wait3A_163 = arith.constant 0 : i32
    %dma_wait3A_164 = tpu.memref_slice %arg6[%dma_wait3A_162, %dma_wait3A_163] : memref<128x128xi32, #tpu.memory_space<vmem>> -> memref<1x200xi32, #tpu.memory_space<vmem>>
    %dma_wait3A_165 = tpu.memref_squeeze %dma_wait3A_164 : memref<1x200xi32, #tpu.memory_space<vmem>> -> memref<200xi32, #tpu.memory_space<vmem>>
    %dma_wait3A_166 = arith.constant 0 : i32
    %dma_wait3A_167 = arith.constant 0 : i32
    %dma_wait3A_168 = tpu.memref_slice %arg4[%dma_wait3A_166, %dma_wait3A_167] : memref<2000000x64xf32, #tpu.memory_space<hbm>> -> memref<2000000x64xf32, #tpu.memory_space<hbm>>
    tpu.wait_indirect_dma semaphore(%arg15 : memref<!tpu.dma_semaphore, #tpu.memory_space<semaphore_mem>>) src(%dma_wait3A_168 : memref<2000000x64xf32, #tpu.memory_space<hbm>>) dst(%arg11 : memref<200x64xf32, #tpu.memory_space<vmem>>)
    %add3A_169 = arith.constant 127 : i32
    %add3A_170 = arith.addi %mul3A_2, %add3A_169 : i32
    %dma_start3A_171 = arith.constant 0 : i32
    %dma_start3A_172 = arith.constant 0 : i32
    %dma_start3A_173 = tpu.memref_slice %arg5[%add3A_170, %dma_start3A_171, %dma_start3A_172] : memref<4096x200x128xf32, #tpu.memory_space<hbm>> -> memref<1x200x64xf32, #tpu.memory_space<hbm>>
    %dma_start3A_174 = tpu.memref_squeeze %dma_start3A_173 : memref<1x200x64xf32, #tpu.memory_space<hbm>> -> memref<200x64xf32, #tpu.memory_space<hbm>>
    %dma_start3A_175 = arith.constant 0 : i32
    %dma_start3A_176 = arith.constant 0 : i32
    %dma_start3A_177 = tpu.memref_slice %arg5[%add3A_170, %dma_start3A_175, %dma_start3A_176] : memref<4096x200x128xf32, #tpu.memory_space<hbm>> -> memref<1x200x64xf32, #tpu.memory_space<hbm>>
    %dma_start3A_178 = tpu.memref_squeeze %dma_start3A_177 : memref<1x200x64xf32, #tpu.memory_space<hbm>> -> memref<200x64xf32, #tpu.memory_space<hbm>>
    tpu.enqueue_dma source(%arg11 : memref<200x64xf32, #tpu.memory_space<vmem>>) target(%dma_start3A_178 : memref<200x64xf32, #tpu.memory_space<hbm>>) target_semaphore(%arg19 : memref<!tpu.dma_semaphore, #tpu.memory_space<semaphore_mem>>)
    %dma_wait3A_179 = arith.constant 0 : i32
    %dma_wait3A_180 = arith.constant 0 : i32
    %dma_wait3A_181 = tpu.memref_slice %arg5[%mul3A_2, %dma_wait3A_179, %dma_wait3A_180] : memref<4096x200x128xf32, #tpu.memory_space<hbm>> -> memref<1x200x64xf32, #tpu.memory_space<hbm>>
    %dma_wait3A_182 = tpu.memref_squeeze %dma_wait3A_181 : memref<1x200x64xf32, #tpu.memory_space<hbm>> -> memref<200x64xf32, #tpu.memory_space<hbm>>
    %dma_wait3A_183 = arith.constant 0 : i32
    %dma_wait3A_184 = arith.constant 0 : i32
    %dma_wait3A_185 = tpu.memref_slice %arg5[%mul3A_2, %dma_wait3A_183, %dma_wait3A_184] : memref<4096x200x128xf32, #tpu.memory_space<hbm>> -> memref<1x200x64xf32, #tpu.memory_space<hbm>>
    %dma_wait3A_186 = tpu.memref_squeeze %dma_wait3A_185 : memref<1x200x64xf32, #tpu.memory_space<hbm>> -> memref<200x64xf32, #tpu.memory_space<hbm>>
    tpu.wait_dma2 semaphore(%arg19 : memref<!tpu.dma_semaphore, #tpu.memory_space<semaphore_mem>>) src(%arg11 : memref<200x64xf32, #tpu.memory_space<vmem>>) dst(%dma_wait3A_186 : memref<200x64xf32, #tpu.memory_space<hbm>>)
    return
  }
}

module attributes {stable_mosaic.version = 14 : i64} {
  func.func @_tc_widen_body(%arg0: i32, %arg1: memref<64x1024xf32, #tpu.memory_space<vmem>>, %arg2: memref<1024x128xf32, #tpu.memory_space<vmem>>) attributes {dimension_semantics = [#tpu.dimension_semantics<arbitrary>], iteration_bounds = array<i64: 977>, scalar_prefetch = 0 : i64, scratch_operands = 0 : i64, tpu.core_type = #tpu.core_type<tc>, window_params = [{transform_indices = @transform_0, window_bounds = array<i64: 64, 1024>}, {transform_indices = @transform_1, window_bounds = array<i64: 1024, 128>}]} {
    %get3A = arith.constant 0 : index
    %get3A_0 = arith.constant 0 : index
    %get3A_1 = vector.load %arg1[%get3A, %get3A_0] : memref<64x1024xf32, #tpu.memory_space<vmem>>, vector<64x1024xf32>
    %transpose3A = tpu.transpose %get3A_1, [1, 0] : vector<64x1024xf32> -> vector<1024x64xf32>
    %swap3A = arith.constant 0 : index
    %swap3A_2 = arith.constant 0 : index
    %swap3A_3 = vector.load %arg2[%swap3A, %swap3A_2] : memref<1024x128xf32, #tpu.memory_space<vmem>>, vector<1024x64xf32>
    tpu.vector_store %arg2[%swap3A, %swap3A_2], %transpose3A {strides = array<i32>} : memref<1024x128xf32, #tpu.memory_space<vmem>>, vector<1024x64xf32>,
    return
  }
  func.func @transform_0(%arg0: i32) -> (i32, i32) {
    %c0_i32 = arith.constant 0 : i32
    %c0_i32_0 = arith.constant 0 : i32
    return %c0_i32, %arg0 : i32, i32
  }
  func.func @transform_1(%arg0: i32) -> (i32, i32) {
    %c0_i32 = arith.constant 0 : i32
    %c0_i32_0 = arith.constant 0 : i32
    return %arg0, %c0_i32 : i32, i32
  }
}

</mosaic_0001>

<sc_bundles>
// kernel: kernel.4.cloned.1.call-start
scs
__scs_entry_jumppad:
0x0: {  	(pc) =	sbr.rel $0x88, $3  }
0x1: {  	(tag) =	ssettag $0x0;
	lr =	simm.s32 $0x1  }
0x2: {  	[smem:$0x3F9F] =	sst lr;
	_ =	strace $0xD0000000  }
0x3: {  	_ = 	snop  }
0x4: {  	_ = 	snop  }
0x5: {  	_ = 	snop  }
0x6: {  	_ = 	snop  }
0x7: {  	_ = 	snop  }
__scs_overlays_trampoline_lowered:
0x8: {  	[smem:$0x3FAE] =	sst s0  }
0x9: {  	[smem:$0x3FAF] =	sst s1  }
0xa: {  	[smem:$0x3FB0] =	sst s2  }
0xb: {  	[smem:$0x3FB1] =	sst s3  }
0xc: {  	[smem:$0x3FB2] =	sst s4  }
0xd: {  	[smem:$0x3FB3] =	sst s5  }
0xe: {  	[smem:$0x3FB4] =	sst s6  }
0xf: {  	[smem:$0x3FB5] =	sst s7  }
0x10: {  	[smem:$0x3FB6] =	sst s8  }
0x11: {  	[smem:$0x3FB7] =	sst s9;
	s0 =	simm.s32 @!p0 $0x0  }
0x12: {  	s1 =	sld [smem:$0x3F9D];
	s0 =	simm.s32 @p0 $0x1  }
0x13: {  	[smem:$0x3FB8] =	sst s0;
	s0 =	simm.s32 @!p1 $0x0  }
0x14: {  	s2 =	sld [smem:$0x3F9C];
	s0 =	simm.s32 @p1 $0x1  }
0x15: {  	[smem:$0x3FB9] =	sst s0;
	s0 =	simm.s32 @!p2 $0x0  }
0x16: {  	s3 =	sld [smem:$0x3FDB];
	s0 =	simm.s32 @p2 $0x1  }
0x17: {  	s4 =	simm.s32 $0x1BF5;
	[smem:$0x3FBB] =	sst s0  }
0x18: {  	s0 =	sld [smem:$0x3F9E];
	_ =	swait.ge [sflag:s4], $0x0  }
0x19: {  	s7 =	sld [smem:$0x3F9F]  }
0x1a: {  	s8 =	sadd.s32 $0xFFFFE003, lr  }
0x1b: {  	s9 =	sadd.s32 $0xFFFFFEF7, lr;
	s5 =	simm.s32 $0xFFFFFFFF;
	p2 =	slt.u32 s8, $0xFFFFF086  }
0x1c: {  	p1 =	slt.u32 s9, $0xF7A;
	s5 =	simm.s32 @!p2 $0x0  }
0x1d: {  	s5 =	simm.s32 @p1 $0x1;
	p0 =	seq.s32 s7, s2  }
0x1e: {  	s7 =	smul.u32 @!p0 $0xF7A, s2;
	p2 =	seq.s32 @!p0 s5, $0x0  }
0x1f: {  	s9 =	smul.u32 $0xF7A, s1;
	s8 =	simm.s32 @!p0 $0x1BF5;
	p2 =	por !p2, p0  }
0x20: {  	[sflag:s8] =	ssyncset.s32 @!p0 $0xFFFFF086;
	s6 =	sadd.s32 @!p0 s3, s7;
	s7 =	simm.s32 @!p0 $0x108  }
0x21: {  	s3 =	sadd.s32 s3, s9;
	s6 =	sadd.s32 @!p0 $0x88, s6;
	s7 =	simm.s32 @p2 $0x1082  }
0x22: {  	[simem:s7], [sflag:s8] =	dma.local @!p0 [hbm:s6], $0xF7A  }
0x23: {  	s9 =	sor.u32 $0xD0000000, s2;
	s6 =	simm.s32 $0x108;
	_ =	swait.ge @!p0 [sflag:s8], $0x0  }
0x24: {  	s3 =	sadd.s32 $0x88, s3;
	s6 =	simm.s32 @!p1 $0x1082;
	[sflag:s4] =	ssyncset.s32 $0xFFFFF086  }
0x25: {  	[simem:s6], [sflag:s4] =	dma.local [hbm:s3], $0xF7A  }
0x26: {  	[smem:$0x3F9F] =	sst s1;
	(tag) =	ssettag s2;
	_ =	strace s9  }
0x27: {  	s1 =	sld [smem:$0x3FAF]  }
0x28: {  	s2 =	sld [smem:$0x3FB0]  }
0x29: {  	s4 =	sld [smem:$0x3FB2]  }
0x2a: {  	p0 =	seq.s32 s5, $0x0;
	s5 =	sld [smem:$0x3FB3]  }
0x2b: {  	s6 =	sld [smem:$0x3FB4]  }
0x2c: {  	s7 =	sld [smem:$0x3FB5]  }
0x2d: {  	s3 =	simm.s32 $0x108;
	s8 =	sld [smem:$0x3FB6]  }
0x2e: {  	s3 =	simm.s32 @!p0 $0x1082;
	s9 =	sld [smem:$0x3FB7]  }
0x2f: {  	lr =	sadd.s32 s0, s3;
	s0 =	sld [smem:$0x3FAE]  }
0x30: {  	s3 =	sld [smem:$0x3FB1]  }
0x31: {  	[smem:$0x3FBA] =	sst s10  }
0x32: {  	s10 =	sld [smem:$0x3FB8];
	_ =	sdelay $0x3  }
0x33: {  	p0 =	seq.s32 s10, $0x1;
	s10 =	sld [smem:$0x3FBA];
	_ =	sdelay $0x3  }
0x34: {  	[smem:$0x3FBA] =	sst s10  }
0x35: {  	s10 =	sld [smem:$0x3FB9];
	_ =	sdelay $0x3  }
0x36: {  	p1 =	seq.s32 s10, $0x1;
	s10 =	sld [smem:$0x3FBA];
	_ =	sdelay $0x3  }
0x37: {  	[smem:$0x3FBA] =	sst s10  }
0x38: {  	s10 =	sld [smem:$0x3FBB]  }
0x39: {  	_ = 	snop;
	(pc) =	sbr.ind lr, $3  }
0x3a: {  	_ = 	snop  }
0x3b: {  	_ = 	snop  }
0x3c: {  	p2 =	seq.s32 s10, $0x1;
	s10 =	sld [smem:$0x3FBA]  }
0x3d: {  	_ =	shalt  }
0x3e: {  	_ =	shalt  }
0x3f: {  	_ =	shalt  }
0x40: {  	_ =	shalt  }
0x41: {  	_ =	shalt  }
0x42: {  	_ =	shalt  }
0x43: {  	_ =	shalt  }
0x44: {  	_ =	shalt  }
0x45: {  	_ =	shalt  }
0x46: {  	_ =	shalt  }
0x47: {  	_ =	shalt  }
0x48: {  	_ =	shalt  }
0x49: {  	_ =	shalt  }
0x4a: {  	_ =	shalt  }
0x4b: {  	_ =	shalt  }
0x4c: {  	_ =	shalt  }
0x4d: {  	_ =	shalt  }
0x4e: {  	_ =	shalt  }
0x4f: {  	_ =	shalt  }
0x50: {  	_ =	shalt  }
0x51: {  	_ =	shalt  }
0x52: {  	_ =	shalt  }
0x53: {  	_ =	shalt  }
0x54: {  	_ =	shalt  }
0x55: {  	_ =	shalt  }
0x56: {  	_ =	shalt  }
0x57: {  	_ =	shalt  }
0x58: {  	_ =	shalt  }
0x59: {  	_ =	shalt  }
0x5a: {  	_ =	shalt  }
0x5b: {  	_ =	shalt  }
0x5c: {  	_ =	shalt  }
0x5d: {  	_ =	shalt  }
0x5e: {  	_ =	shalt  }
0x5f: {  	_ =	shalt  }
0x60: {  	_ =	shalt  }
0x61: {  	_ =	shalt  }
0x62: {  	_ =	shalt  }
0x63: {  	_ =	shalt  }
0x64: {  	_ =	shalt  }
0x65: {  	_ =	shalt  }
0x66: {  	_ =	shalt  }
0x67: {  	_ =	shalt  }
0x68: {  	_ =	shalt  }
0x69: {  	_ =	shalt  }
0x6a: {  	_ =	shalt  }
0x6b: {  	_ =	shalt  }
0x6c: {  	_ =	shalt  }
0x6d: {  	_ =	shalt  }
0x6e: {  	_ =	shalt  }
0x6f: {  	_ =	shalt  }
0x70: {  	_ =	shalt  }
0x71: {  	_ =	shalt  }
0x72: {  	_ =	shalt  }
0x73: {  	_ =	shalt  }
0x74: {  	_ =	shalt  }
0x75: {  	_ =	shalt  }
0x76: {  	_ =	shalt  }
0x77: {  	_ =	shalt  }
0x78: {  	_ =	shalt  }
0x79: {  	_ =	shalt  }
0x7a: {  	_ =	shalt  }
0x7b: {  	_ =	shalt  }
0x7c: {  	_ =	shalt  }
0x7d: {  	_ =	shalt  }
0x7e: {  	_ =	shalt  }
0x7f: {  	_ =	shalt  }
0x80: {  	_ =	shalt  }
0x81: {  	_ =	shalt  }
0x82: {  	_ =	shalt  }
0x83: {  	_ =	shalt  }
0x84: {  	_ =	shalt  }
0x85: {  	_ =	shalt  }
0x86: {  	_ =	shalt  }
0x87: {  	_ =	shalt  }
.Lfunc_end0:
.L_simem_size_0:
called_computation.1_lowered:
.L_overlay_start_0:
0x88: {  	s2 =	sld [smem:$0x3FD9]  }
0x89: {  	s3 =	sld [smem:$0x3FFE];
	_ =	sdelay $0x1  }
0x8a: {  	s1 =	srdreg.scid  }
0x8b: {  	s0 =	sand.u32 $0x1, s1  }
0x8c: {  	s17 =	sshll.u32 s0, $0xA;
	s2 =	sadd.s32 s3, s2  }
0x8d: {  	s2 =	sadd.s32 s2, s17  }
0x8e: {  	[smem:$0x3FC6] =	sst s2  }
0x8f: {  	_ = 	snop  }
0x90: {  	s2 =	sld [smem:$0x3FD0];
	(tm) =	ssettm $0x1  }
0x91: {  	s18 =	sld [smem:$0x3FFB];
	_ =	sdelay $0x3  }
0x92: {  	_ =	strace s18  }
0x93: {  	s3 =	sld [smem:$0x3FFC];
	_ =	sdelay $0x3  }
0x94: {  	_ =	strace s3  }
0x95: {  	s3 =	sld [smem:$0x3FFD];
	_ =	sdelay $0x3  }
0x96: {  	_ =	strace s3  }
0x97: {  	_ =	strace $0x8FFFFFFF  }
0x98: {  	s19 =	sld [smem:$0x3FDB];
	_ =	sdelay $0x1  }
0x99: {  	s4 =	simm.s32 $_scs_section_size  }
0x9a: {  	s5 =	simm.s32 $_size__tile_overlayer_lowered;
	s6 =	simm.s32 $_tile_overlayer_lowered  }
0x9b: {  	s22 =	simm.s32 $0x1BFF;
	s21 =	sshll.u32 s6, $0x1;
	s3 =	sadd.s32 s4, s19  }
0x9c: {  	s7 =	simm.s32 $0x0;
	s20 =	sshll.u32 s5, $0x1;
	s5 =	sadd.s32 s21, s3  }
0x9d: {  	[timem:s7], [sflag:s22] =	dma.local [hbm:s5], s20  }
0x9e: {  	_ =	swait.ge [sflag:s22], s20  }
0x9f: {  	s4 =	ssub.s32 $0x0, s20;
	[sflag:s22] =	ssyncset.done $0x0  }
0xa0: {  	[sflag:s22] =	ssyncadd.s32 s4;
	_ =	sdelay $0x1  }
0xa1: {  	s23 =	simm.s32 $0x1B8B  }
0xa2: {  	_ =	swait.ge [sflag:s23], $0x1  }
0xa3: {  	[sflag:s23] =	ssyncset.done $0x0  }
0xa4: {  	s25 =	simm.s32 $0x1B8E;
	s24 =	sld [smem:$0x3FFE];
	[sflag:s23] =	ssyncadd.s32 $0xFFFFFFFF  }
0xa5: {  	s26 =	simm.s32 $execute0_lowered;
	[smem:$0x3FD2] =	sst s25  }
0xa6: {  	s5 =	sshll.u32 s26, $0x1;
	_ =	strace $0x80000046;
	[dreg:$0x1] =	wrdreg $0xFFFFFFFF  }
0xa7: {  	s28 =	simm.s32 $_size_execute0_lowered;
	s3 =	sadd.s32 s3, s5;
	[dreg:$0x0] =	wrdreg $0x0  }
0xa8: {  	s5 =	sshll.u32 s28, $0x1;
	[dreg:$0x2] =	wrdreg s3  }
0xa9: {  	[dreg:$0x3] =	wrdreg s5  }
0xaa: {  	[dreg:$0x4] =	wrdreg $0xC0  }
0xab: {  	_ =	task [dreg:s7], $0x5FFFF  }
0xac: {  	[dreg:$0x1] =	wrdreg $0xFFFFFFFF  }
0xad: {  	[dreg:$0x0] =	wrdreg $0x60  }
0xae: {  	[dreg:$0x2] =	wrdreg s2  }
0xaf: {  	[dreg:$0x3] =	wrdreg s24  }
0xb0: {  	[dreg:$0x4] =	wrdreg $0x9  }
0xb1: {  	_ =	task.clear_ibuf [dreg:s7], $0x5FFFF;
	_ =	strace $0x90000046  }
0xb2: {  	s29 =	simm.s32 $0x9;
	_ =	strace $0x80000048  }
0xb3: {  	_ =	swait.ge [sflag:s29], $0x1  }
0xb4: {  	[sflag:s29] =	ssyncadd.s32 $0xFFFFFFFF  }
0xb5: {  	_ =	strace $0x90000048  }
0xb6: {  	_ =	sfence  }
0xb7: {  	s30 =	sld [smem:$0x0];
	_ =	sdelay $0x2  }
0xb8: {  	s31 =	sshll.u32 s1, $0xD;
	s1 =	sshrl.u32 s1, $0x2  }
0xb9: {  	s3 =	sand.u32 $0x4000, s31;
	s1 =	sadd.s32 s1, s30  }
0xba: {  	s0 =	sor.u32 s3, s0;
	s1 =	sshll.u32 s1, $0x11  }
0xbb: {  	s0 =	sor.u32 s1, s0  }
0xbc: {  	s0 =	sadd.s32 $0x8F2B, s0  }
0xbd: {  	[sflag:s0] =	ssyncadd.remote.s32 $0x1  }
0xbe: {  	_ =	sfence.sel $0xFFFF  }
0xbf: {  	[dreg:$0x0] =	wrdreg $0xFFFFFFFF;
	(pc) =	sbr.abs _section_cstart, $3  }
0xc0: {  	[dreg:$0x1] =	wrdreg $0xFFFFFFFF  }
0xc1: {  	_ =	task.clear_ibuf [dreg:s7], $0x2FFFF;
	_ =	strace $0x9FFFFFFF  }
0xc2: {  	(tm) =	ssettm $0x7FFFFFFF  }
0xc3: {  	_ =	shalt  }
tec
execute0_lowered:
.L_overlay_start_1:
0x0: {  	(tag) =	ssettag $0x1  }
0x1: {  	s0 =	rddreg [dreg:$0x0]  }
0x2: {  	s1 =	rddreg [dreg:$0x1]  }
0x3: {  	s3 =	srdreg.scid;
	s2 =	simm.s32 $0x0;
	s10 =	stileid.u32  }
0x4: {  	s12 =	simm.s32 $0x9;
	s13 =	simm.s32 $0x4000;
	s14 =	simm.s32 $0x80  }
0x5: {  	s15 =	simm.s32 $0x8000;
	s16 =	simm.s32 $0x48;
	s17 =	simm.s32 $0xA000  }
0x6: {  	s18 =	simm.s32 $0xB200;
	s29 =	simm.s32 $0x13600;
	s30 =	simm.s32 $0x1  }
0x7: {  	s31 =	simm.s32 $0x40;
	s19 =	simm.s32 $0x6;
	s28 =	simm.s32 $0x8  }
0x8: {  	s4 =	sand.u32 $0x1, s3;
	[smem:$0x7FF] =	sst s2;
	s20 =	sshll.u32 s10, $0x8  }
0x9: {  	s22 =	smul.u32 $0xC8000, s10;
	s5 =	sshll.u32 s4, $0x7;
	_ =	strace $0x80000047  }
0xa: {  	s6 =	ssub.s32 $0x2, s4;
	s4 =	smul.u32 $0x64000, s4;
	s3 =	sor.u32 s5, s20  }
0xb: {  	s9 =	sshrl.u32 s6, $0x1;
	s20 =	simm.s32 $0xD200;
	s5 =	sshll.u32 s3, $0x4  }
0xc: {  	s7 =	smul.u32 $0x6400, s3;
	s3 =	sadd.s32 $0x11000, s1;
	s6 =	ssub.s32 s6, s9  }
0xd: {  	s8 =	sadd.s32 s5, s1;
	s1 =	sadd.s32 $0xF53400, s1;
	s0 =	sadd.s32 s0, s5  }
0xe: {  	s10 =	smax.u32 s6, $0x1;
	s7 =	sshrl.u32 s7, $0x3;
	[dreg:$0x3] =	wrdreg s0  }
0xf: {  	s23 =	sadd.s32 $0x1000, s8;
	s0 =	simm.s32 $0x5;
	s21 =	sadd.s32 s1, s7  }
0x10: {  	[dreg:$0x4] =	wrdreg s23;
	s1 =	sadd.s32 s22, s1;
	s22 =	simm.s32 $0xE400  }
0x11: {  	s23 =	simm.s32 $0x7;
	s24 =	sadd.s32 $0x60E00, s21;
	s25 =	sadd.s32 $0x61A80, s21  }
0x12: {  	s26 =	sadd.s32 $0x62700, s21;
	s9 =	sadd.s32 $0x63380, s21;
	[dreg:$0x5] =	wrdreg s24  }
0x13: {  	s11 =	sadd.s32 s4, s1;
	s1 =	simm.s32 $0x2;
	[dreg:$0x6] =	wrdreg s25  }
0x14: {  	s21 =	simm.s32 $0x3;
	s4 =	simm.s32 $0x0;
	[dreg:$0x7] =	wrdreg s26  }
0x15: {  	s24 =	simm.s32 $0x10400;
	s26 =	simm.s32 $0x11600;
	s25 =	simm.s32 $0x4  }
.LBB2_1:
0x16: {  	s5 =	rddreg [dreg:$0x3]  }
0x17: {  	[tilespmem:s2], [sflag:$0x9] =	stream.linear.gather [hbm4b:s5+s2], $0x4000, $0x38;
	[tilespmem:$0x14800] =	vst v63  }
0x18: {  	_ =	swait.ge [sflag:s12], $0x4000  }
0x19: {  	[sflag:s12] =	ssyncset.done $0x0  }
0x1a: {  	s8 =	rddreg [dreg:$0x4];
	[sflag:s12] =	ssyncadd.s32 $0xFFFFC000  }
0x1b: {  	[tilespmem:s13], [sflag:$0x9] =	stream.linear.gather [hbm4b:s8+s2], $0x4000, $0x38;
	[tilespmem:$0x14800] =	vst v63  }
0x1c: {  	_ =	swait.ge [sflag:s12], $0x4000  }
0x1d: {  	[sflag:s12] =	ssyncset.done $0x0  }
0x1e: {  	[sflag:s12] =	ssyncadd.s32 $0xFFFFC000  }
0x1f: {  	[tilespmem:s15], [sflag:$0x1] =	stream.indirect.gather [hbm4b:s3+s14], $0x40, s2, s14, $0xb8;
	[tilespmem:$0x14800] =	vst v63  }
0x20: {  	_ = 	snop  }
0x21: {  	[tilespmem:s17], [sflag:$0x1] =	stream.indirect.gather [hbm4b:s3+s16], $0x40, s13, s16, $0xb8;
	[tilespmem:$0x14800] =	vst v63  }
0x22: {  	_ = 	snop  }
0x23: {  	[tilespmem:s18], [sflag:$0x2] =	stream.indirect.gather [hbm4b:s3+s14], $0x40, s14, s14, $0xb8;
	[tilespmem:$0x14800] =	vst v63  }
0x24: {  	s6 =	simm.s32 $0x4080  }
0x25: {  	[tilespmem:s20], [sflag:$0x2] =	stream.indirect.gather [hbm4b:s3+s16], $0x40, s6, s16, $0xb8;
	[tilespmem:$0x14800] =	vst v63  }
0x26: {  	s7 =	simm.s32 $0x100  }
0x27: {  	[tilespmem:s22], [sflag:$0x3] =	stream.indirect.gather [hbm4b:s3+s14], $0x40, s7, s14, $0xb8;
	[tilespmem:$0x14800] =	vst v63  }
0x28: {  	s8 =	simm.s32 $0x4100  }
0x29: {  	[tilespmem:s24], [sflag:$0x3] =	stream.indirect.gather [hbm4b:s3+s16], $0x40, s8, s16, $0xb8;
	[tilespmem:$0x14800] =	vst v63  }
0x2a: {  	s6 =	simm.s32 $0x180  }
0x2b: {  	[tilespmem:s26], [sflag:$0x4] =	stream.indirect.gather [hbm4b:s3+s14], $0x40, s6, s14, $0xb8;
	[tilespmem:$0x14800] =	vst v63  }
0x2c: {  	s7 =	simm.s32 $0x4180  }
0x2d: {  	[tilespmem:s29], [sflag:$0x4] =	stream.indirect.gather [hbm4b:s3+s16], $0x40, s7, s16, $0xb8;
	[tilespmem:$0x14800] =	vst v63  }
0x2e: {  	_ =	swait.ge [sflag:s30], $0x3200  }
0x2f: {  	[sflag:s30] =	ssyncset.done $0x0  }
0x30: {  	[sflag:s30] =	ssyncadd.s32 $0xFFFFCE00  }
0x31: {  	[hbm4b:s11+s31] =	stream.strided.scatter [tilespmem:s15], [sflag:$0x5], $0x3200, s14, s31, $0x38;
	[tilespmem:$0x14800] =	vst v63  }
0x32: {  	_ =	swait.ge [sflag:s0], $0x3200  }
0x33: {  	[sflag:s0] =	ssyncset.done $0x0  }
0x34: {  	s8 =	simm.s32 $0x200;
	[sflag:s0] =	ssyncadd.s32 $0xFFFFCE00  }
0x35: {  	[tilespmem:s15], [sflag:$0x1] =	stream.indirect.gather [hbm4b:s3+s14], $0x40, s8, s14, $0xb8;
	[tilespmem:$0x14800] =	vst v63  }
0x36: {  	s6 =	simm.s32 $0x4200  }
0x37: {  	[tilespmem:s17], [sflag:$0x1] =	stream.indirect.gather [hbm4b:s3+s16], $0x40, s6, s16, $0xb8;
	[tilespmem:$0x14800] =	vst v63  }
0x38: {  	_ =	swait.ge [sflag:s1], $0x3200  }
0x39: {  	[sflag:s1] =	ssyncset.done $0x0  }
0x3a: {  	s7 =	sadd.s32 $0xC80, s11;
	[sflag:s1] =	ssyncadd.s32 $0xFFFFCE00  }
0x3b: {  	[hbm4b:s7+s31] =	stream.strided.scatter [tilespmem:s18], [sflag:$0x6], $0x3200, s14, s31, $0x38;
	[tilespmem:$0x14800] =	vst v63  }
0x3c: {  	_ =	swait.ge [sflag:s19], $0x3200  }
0x3d: {  	[sflag:s19] =	ssyncset.done $0x0  }
0x3e: {  	s8 =	simm.s32 $0x280;
	[sflag:s19] =	ssyncadd.s32 $0xFFFFCE00  }
0x3f: {  	[tilespmem:s18], [sflag:$0x2] =	stream.indirect.gather [hbm4b:s3+s14], $0x40, s8, s14, $0xb8;
	[tilespmem:$0x14800] =	vst v63  }
0x40: {  	s6 =	simm.s32 $0x4280  }
0x41: {  	[tilespmem:s20], [sflag:$0x2] =	stream.indirect.gather [hbm4b:s3+s16], $0x40, s6, s16, $0xb8;
	[tilespmem:$0x14800] =	vst v63  }
0x42: {  	_ =	swait.ge [sflag:s21], $0x3200  }
0x43: {  	[sflag:s21] =	ssyncset.done $0x0  }
0x44: {  	s7 =	sadd.s32 $0x1900, s11;
	[sflag:s21] =	ssyncadd.s32 $0xFFFFCE00  }
0x45: {  	[hbm4b:s7+s31] =	stream.strided.scatter [tilespmem:s22], [sflag:$0x7], $0x3200, s14, s31, $0x38;
	[tilespmem:$0x14800] =	vst v63  }
0x46: {  	_ =	swait.ge [sflag:s23], $0x3200  }
0x47: {  	[sflag:s23] =	ssyncset.done $0x0  }
0x48: {  	s8 =	simm.s32 $0x300;
	[sflag:s23] =	ssyncadd.s32 $0xFFFFCE00  }
0x49: {  	[tilespmem:s22], [sflag:$0x3] =	stream.indirect.gather [hbm4b:s3+s14], $0x40, s8, s14, $0xb8;
	[tilespmem:$0x14800] =	vst v63  }
0x4a: {  	s6 =	simm.s32 $0x4300  }
0x4b: {  	[tilespmem:s24], [sflag:$0x3] =	stream.indirect.gather [hbm4b:s3+s16], $0x40, s6, s16, $0xb8;
	[tilespmem:$0x14800] =	vst v63  }
0x4c: {  	_ =	swait.ge [sflag:s25], $0x3200  }
0x4d: {  	[sflag:s25] =	ssyncset.done $0x0  }
0x4e: {  	s7 =	sadd.s32 $0x2580, s11;
	[sflag:s25] =	ssyncadd.s32 $0xFFFFCE00  }
0x4f: {  	[hbm4b:s7+s31] =	stream.strided.scatter [tilespmem:s26], [sflag:$0x8], $0x3200, s14, s31, $0x38;
	[tilespmem:$0x14800] =	vst v63  }
0x50: {  	_ =	swait.ge [sflag:s28], $0x3200  }
0x51: {  	s5 =	simm.s32 $0x800;
	s8 =	simm.s32 $0x380;
	[sflag:s28] =	ssyncset.done $0x0  }
0x52: {  	s6 =	sadd.s32 $0x3200, s11;
	s7 =	simm.s32 $0x4380;
	[sflag:s28] =	ssyncadd.s32 $0xFFFFCE00  }
0x53: {  	[tilespmem:s26], [sflag:$0x4] =	stream.indirect.gather [hbm4b:s3+s14], $0x40, s8, s14, $0xb8;
	[tilespmem:$0x14800] =	vst v63  }
.LBB2_2:
0x54: {  	[tilespmem:s29], [sflag:$0x4] =	stream.indirect.gather [hbm4b:s3+s16], $0x40, s7, s16, $0xb8;
	[tilespmem:$0x14800] =	vst v63  }
0x55: {  	s7 =	smov.u32 s5  }
0x56: {  	p0 =	sne.s32 s5, $0xF000;
	s5 =	sadd.s32 $0x800, s5;
	_ =	swait.ge [sflag:s30], $0x3200  }
0x57: {  	[sflag:s30] =	ssyncset.done $0x0  }
0x58: {  	[sflag:s30] =	ssyncadd.s32 $0xFFFFCE00  }
0x59: {  	[hbm4b:s6+s31] =	stream.strided.scatter [tilespmem:s15], [sflag:$0x5], $0x3200, s14, s31, $0x38;
	[tilespmem:$0x14800] =	vst v63  }
0x5a: {  	_ =	swait.ge [sflag:s0], $0x3200  }
0x5b: {  	s7 =	sshra.s32 s7, $0x2;
	[sflag:s0] =	ssyncset.done $0x0  }
0x5c: {  	s8 =	sadd.s32 $0x200, s7;
	[sflag:s0] =	ssyncadd.s32 $0xFFFFCE00  }
0x5d: {  	[tilespmem:s15], [sflag:$0x1] =	stream.indirect.gather [hbm4b:s3+s14], $0x40, s8, s14, $0xb8;
	[tilespmem:$0x14800] =	vst v63  }
0x5e: {  	s8 =	sadd.s32 $0x4200, s7  }
0x5f: {  	[tilespmem:s17], [sflag:$0x1] =	stream.indirect.gather [hbm4b:s3+s16], $0x40, s8, s16, $0xb8;
	[tilespmem:$0x14800] =	vst v63  }
0x60: {  	_ =	swait.ge [sflag:s1], $0x3200  }
0x61: {  	[sflag:s1] =	ssyncset.done $0x0  }
0x62: {  	s8 =	sadd.s32 $0xC80, s6;
	[sflag:s1] =	ssyncadd.s32 $0xFFFFCE00  }
0x63: {  	[hbm4b:s8+s31] =	stream.strided.scatter [tilespmem:s18], [sflag:$0x6], $0x3200, s14, s31, $0x38;
	[tilespmem:$0x14800] =	vst v63  }
0x64: {  	_ =	swait.ge [sflag:s19], $0x3200  }
0x65: {  	[sflag:s19] =	ssyncset.done $0x0  }
0x66: {  	s8 =	sadd.s32 $0x280, s7;
	[sflag:s19] =	ssyncadd.s32 $0xFFFFCE00  }
0x67: {  	[tilespmem:s18], [sflag:$0x2] =	stream.indirect.gather [hbm4b:s3+s14], $0x40, s8, s14, $0xb8;
	[tilespmem:$0x14800] =	vst v63  }
0x68: {  	s8 =	sadd.s32 $0x4280, s7  }
0x69: {  	[tilespmem:s20], [sflag:$0x2] =	stream.indirect.gather [hbm4b:s3+s16], $0x40, s8, s16, $0xb8;
	[tilespmem:$0x14800] =	vst v63  }
0x6a: {  	_ =	swait.ge [sflag:s21], $0x3200  }
0x6b: {  	[sflag:s21] =	ssyncset.done $0x0  }
0x6c: {  	s8 =	sadd.s32 $0x1900, s6;
	[sflag:s21] =	ssyncadd.s32 $0xFFFFCE00  }
0x6d: {  	[hbm4b:s8+s31] =	stream.strided.scatter [tilespmem:s22], [sflag:$0x7], $0x3200, s14, s31, $0x38;
	[tilespmem:$0x14800] =	vst v63  }
0x6e: {  	_ =	swait.ge [sflag:s23], $0x3200  }
0x6f: {  	[sflag:s23] =	ssyncset.done $0x0  }
0x70: {  	s8 =	sadd.s32 $0x300, s7;
	[sflag:s23] =	ssyncadd.s32 $0xFFFFCE00  }
0x71: {  	[tilespmem:s22], [sflag:$0x3] =	stream.indirect.gather [hbm4b:s3+s14], $0x40, s8, s14, $0xb8;
	[tilespmem:$0x14800] =	vst v63  }
0x72: {  	s8 =	sadd.s32 $0x4300, s7  }
0x73: {  	[tilespmem:s24], [sflag:$0x3] =	stream.indirect.gather [hbm4b:s3+s16], $0x40, s8, s16, $0xb8;
	[tilespmem:$0x14800] =	vst v63  }
0x74: {  	_ =	swait.ge [sflag:s25], $0x3200  }
0x75: {  	[sflag:s25] =	ssyncset.done $0x0  }
0x76: {  	s8 =	sadd.s32 $0x2580, s6;
	[sflag:s25] =	ssyncadd.s32 $0xFFFFCE00  }
0x77: {  	[hbm4b:s8+s31] =	stream.strided.scatter [tilespmem:s26], [sflag:$0x8], $0x3200, s14, s31, $0x38;
	[tilespmem:$0x14800] =	vst v63  }
.Ltmp0:
0x78: {  	_ =	swait.ge [sflag:s28], $0x3200;
	(pc) =	sbr.rel @p0 .LBB2_2-.Ltmp0, $4  }
0x79: {  	[sflag:s28] =	ssyncset.done $0x0  }
0x7a: {  	s8 =	sadd.s32 $0x380, s7;
	[sflag:s28] =	ssyncadd.s32 $0xFFFFCE00  }
0x7b: {  	[tilespmem:s26], [sflag:$0x4] =	stream.indirect.gather [hbm4b:s3+s14], $0x40, s8, s14, $0xb8;
	[tilespmem:$0x14800] =	vst v63  }
0x7c: {  	s6 =	sadd.s32 $0x3200, s6;
	s7 =	sadd.s32 $0x4380, s7  }
0x7d: {  	[tilespmem:s29], [sflag:$0x4] =	stream.indirect.gather [hbm4b:s3+s16], $0x40, s7, s16, $0xb8;
	[tilespmem:$0x14800] =	vst v63  }
0x7e: {  	_ =	swait.ge [sflag:s30], $0x3200  }
0x7f: {  	[sflag:s30] =	ssyncset.done $0x0  }
0x80: {  	s5 =	rddreg [dreg:$0x5];
	[sflag:s30] =	ssyncadd.s32 $0xFFFFCE00  }
0x81: {  	[hbm4b:s5+s31] =	stream.strided.scatter [tilespmem:s15], [sflag:$0x5], $0x3200, s14, s31, $0x38;
	[tilespmem:$0x14800] =	vst v63  }
0x82: {  	_ =	swait.ge [sflag:s0], $0x3200  }
0x83: {  	[sflag:s0] =	ssyncset.done $0x0  }
0x84: {  	[sflag:s0] =	ssyncadd.s32 $0xFFFFCE00  }
0x85: {  	_ =	swait.ge [sflag:s1], $0x3200  }
0x86: {  	[sflag:s1] =	ssyncset.done $0x0  }
0x87: {  	s7 =	rddreg [dreg:$0x6];
	[sflag:s1] =	ssyncadd.s32 $0xFFFFCE00  }
0x88: {  	[hbm4b:s7+s31] =	stream.strided.scatter [tilespmem:s18], [sflag:$0x6], $0x3200, s14, s31, $0x38;
	[tilespmem:$0x14800] =	vst v63  }
0x89: {  	_ =	swait.ge [sflag:s19], $0x3200  }
0x8a: {  	[sflag:s19] =	ssyncset.done $0x0  }
0x8b: {  	[sflag:s19] =	ssyncadd.s32 $0xFFFFCE00  }
0x8c: {  	_ =	swait.ge [sflag:s21], $0x3200  }
0x8d: {  	[sflag:s21] =	ssyncset.done $0x0  }
0x8e: {  	s8 =	rddreg [dreg:$0x7];
	[sflag:s21] =	ssyncadd.s32 $0xFFFFCE00  }
0x8f: {  	[hbm4b:s8+s31] =	stream.strided.scatter [tilespmem:s22], [sflag:$0x7], $0x3200, s14, s31, $0x38;
	[tilespmem:$0x14800] =	vst v63  }
0x90: {  	_ =	swait.ge [sflag:s23], $0x3200  }
0x91: {  	[sflag:s23] =	ssyncset.done $0x0  }
0x92: {  	[sflag:s23] =	ssyncadd.s32 $0xFFFFCE00  }
0x93: {  	s4 =	sadd.s32 $0x1, s4;
	_ =	swait.ge [sflag:s25], $0x3200  }
0x94: {  	p0 =	sne.s32 s4, s10;
	[sflag:s25] =	ssyncset.done $0x0  }
.Ltmp1:
0x95: {  	[sflag:s25] =	ssyncadd.s32 $0xFFFFCE00;
	(pc) =	sbr.rel @p0 .LBB2_1-.Ltmp1, $4  }
0x96: {  	[hbm4b:s9+s31] =	stream.strided.scatter [tilespmem:s26], [sflag:$0x8], $0x3200, s14, s31, $0x38;
	[tilespmem:$0x14800] =	vst v63  }
0x97: {  	_ =	swait.ge [sflag:s28], $0x3200  }
0x98: {  	[sflag:s28] =	ssyncset.done $0x0  }
0x99: {  	[sflag:s28] =	ssyncadd.s32 $0xFFFFCE00  }
0x9a: {  	_ =	sfence.sel $0x180000  }
0x9b: {  	[bflag:$0x0] =	sbarrier.arrive $0xFFFF  }
0x9c: {  	_ =	strace $0x90000047  }
0x9d: {  	s0 =	stileid.u32;
	[bflag:$0x2] =	sbarrier.arrive $0xFFFF  }
0x9e: {  	p0 =	sne.s32 s0, $0x0;
	s0 =	rddreg [dreg:$0x2]  }
0x9f: {  	s0 =	sadd.s32 @!p0 $0x100000, s0  }
0xa0: {  	[sflag:s0] =	ssyncadd.tile.s32 @!p0 $0x1;
	_ =	shalt  }
.Lfunc_end2:
_tile_overlayer_lowered:
.L_overlay_start_2:
0xa1: {  	(tag) =	ssettag $0x2  }
0xa2: {  	s0 =	rddreg [dreg:$0x0];
	s2 =	stileid.u32  }
0xa3: {  	s1 =	rddreg [dreg:$0x1];
	p0 =	sne.s32 s2, $0x0  }
0xa4: {  	s3 =	rddreg [dreg:$0x2];
	[bflag:$0x3] =	sbarrier.arrive $0xFFFF;
	s2 =	simm.s32 @!p0 $0x1C09  }
0xa5: {  	[timem:s3], [sflag:s2] =	dma.local @!p0 [hbm:s0], s1  }
0xa6: {  	s0 =	simm.s32 @!p0 $0x9  }
0xa7: {  	_ =	swait.ge @!p0 [sflag:s0], s1  }
0xa8: {  	s1 =	ssub.s32 @!p0 $0x0, s1;
	[sflag:s0] =	ssyncset.done @!p0 $0x0  }
0xa9: {  	[sflag:s0] =	ssyncadd.s32 @!p0 s1  }
0xaa: {  	[bflag:$0x3] =	sbarrier.arrive $0xFFFF  }
0xab: {  	_ =	shalt  }

// kernel: sparse-core-data-format-call.cloned.1.call-start
scs
called_computation_lowered:
.L_overlay_start_0:
0x0: {  	s2 =	sld [smem:$0x3FD9]  }
0x1: {  	s3 =	sld [smem:$0x3FFE];
	_ =	sdelay $0x1  }
0x2: {  	s1 =	srdreg.scid  }
0x3: {  	s0 =	sand.u32 $0x1, s1  }
0x4: {  	s18 =	sshll.u32 s0, $0xA;
	s2 =	sadd.s32 s3, s2  }
0x5: {  	s2 =	sadd.s32 s2, s18  }
0x6: {  	[smem:$0x3FC6] =	sst s2  }
0x7: {  	_ = 	snop  }
0x8: {  	s2 =	sld [smem:$0x3FD0];
	(tm) =	ssettm $0x1  }
0x9: {  	s19 =	sld [smem:$0x3FFB];
	_ =	sdelay $0x3  }
0xa: {  	_ =	strace s19  }
0xb: {  	s3 =	sld [smem:$0x3FFC];
	_ =	sdelay $0x3  }
0xc: {  	_ =	strace s3  }
0xd: {  	s3 =	sld [smem:$0x3FFD];
	_ =	sdelay $0x3  }
0xe: {  	_ =	strace s3  }
0xf: {  	_ =	strace $0x8FFFFFFF  }
0x10: {  	s20 =	sld [smem:$0x3FDB];
	_ =	sdelay $0x1  }
0x11: {  	s4 =	simm.s32 $_scs_section_size  }
0x12: {  	s5 =	simm.s32 $_size__tile_overlayer_lowered;
	s6 =	simm.s32 $_tile_overlayer_lowered  }
0x13: {  	s23 =	simm.s32 $0x1BFF;
	s22 =	sshll.u32 s6, $0x1;
	s3 =	sadd.s32 s4, s20  }
0x14: {  	s7 =	simm.s32 $0x0;
	s21 =	sshll.u32 s5, $0x1;
	s5 =	sadd.s32 s22, s3  }
0x15: {  	[timem:s7], [sflag:s23] =	dma.local [hbm:s5], s21  }
0x16: {  	_ =	swait.ge [sflag:s23], s21  }
0x17: {  	s4 =	ssub.s32 $0x0, s21;
	[sflag:s23] =	ssyncset.done $0x0  }
0x18: {  	[sflag:s23] =	ssyncadd.s32 s4;
	_ =	sdelay $0x1  }
0x19: {  	s24 =	simm.s32 $0x1B8B  }
0x1a: {  	_ =	swait.ge [sflag:s24], $0x1  }
0x1b: {  	[sflag:s24] =	ssyncset.done $0x0  }
0x1c: {  	s26 =	simm.s32 $0x1B8E;
	s25 =	sld [smem:$0x3FFE];
	[sflag:s24] =	ssyncadd.s32 $0xFFFFFFFF  }
0x1d: {  	s27 =	simm.s32 $execute0_lowered;
	[smem:$0x3FD2] =	sst s26  }
0x1e: {  	s5 =	sshll.u32 s27, $0x1;
	_ =	strace $0x80000049;
	[dreg:$0x1] =	wrdreg $0xFFFFFFFF  }
0x1f: {  	s28 =	simm.s32 $_size_execute0_lowered;
	s3 =	sadd.s32 s3, s5;
	[dreg:$0x0] =	wrdreg $0x0  }
0x20: {  	s5 =	sshll.u32 s28, $0x1;
	[dreg:$0x2] =	wrdreg s3  }
0x21: {  	[dreg:$0x3] =	wrdreg s5  }
0x22: {  	[dreg:$0x4] =	wrdreg $0xC0  }
0x23: {  	_ =	task [dreg:s7], $0x5FFFF  }
0x24: {  	[dreg:$0x1] =	wrdreg $0xFFFFFFFF  }
0x25: {  	[dreg:$0x0] =	wrdreg $0x60  }
0x26: {  	[dreg:$0x2] =	wrdreg s25  }
0x27: {  	[dreg:$0x3] =	wrdreg s2  }
0x28: {  	[dreg:$0x4] =	wrdreg $0x9  }
0x29: {  	_ =	task.clear_ibuf [dreg:s7], $0x5FFFF;
	_ =	strace $0x90000049  }
0x2a: {  	s29 =	simm.s32 $0x9;
	_ =	strace $0x8000004B  }
0x2b: {  	_ =	swait.ge [sflag:s29], $0x1  }
0x2c: {  	[sflag:s29] =	ssyncadd.s32 $0xFFFFFFFF  }
0x2d: {  	_ =	strace $0x9000004B  }
0x2e: {  	_ =	sfence  }
0x2f: {  	s30 =	sld [smem:$0x0];
	_ =	sdelay $0x2  }
0x30: {  	s31 =	sshll.u32 s1, $0xD;
	s1 =	sshrl.u32 s1, $0x2  }
0x31: {  	s3 =	sand.u32 $0x4000, s31;
	s1 =	sadd.s32 s1, s30  }
0x32: {  	s0 =	sor.u32 s3, s0;
	s1 =	sshll.u32 s1, $0x11  }
0x33: {  	s0 =	sor.u32 s1, s0  }
0x34: {  	s0 =	sadd.s32 $0x8F2B, s0  }
0x35: {  	[sflag:s0] =	ssyncadd.remote.s32 $0x1  }
0x36: {  	_ =	sfence.sel $0xFFFF  }
0x37: {  	[dreg:$0x0] =	wrdreg $0xFFFFFFFF;
	(pc) =	sbr.abs _section_cstart, $3  }
0x38: {  	[dreg:$0x1] =	wrdreg $0xFFFFFFFF  }
0x39: {  	_ =	task.clear_ibuf [dreg:s7], $0x2FFFF;
	_ =	strace $0x9FFFFFFF  }
0x3a: {  	(tm) =	ssettm $0x7FFFFFFF  }
0x3b: {  	_ =	shalt  }
tec
execute0_lowered:
.L_overlay_start_1:
0x0: {  	(tag) =	ssettag $0x1  }
0x1: {  	s0 =	srdreg.scid  }
0x2: {  	s1 =	sshll.u32 s0, $0x4  }
0x3: {  	s0 =	stileid.u32;
	s1 =	sand.u32 $0x10, s1  }
0x4: {  	s1 =	sor.u32 s0, s1  }
0x5: {  	s6 =	rddreg [dreg:$0x0];
	s4 =	simm.s32 $0x1;
	s2 =	sshll.u32 s1, $0x7  }
0x6: {  	s7 =	simm.s32 $0x2;
	s12 =	simm.s32 $0x0;
	s1 =	ssub.s32 $0x1000, s2  }
0x7: {  	s8 =	simm.s32 $0x8000;
	s13 =	simm.s32 $0x0;
	s3 =	sand.u32 $0xF80, s1  }
0x8: {  	s9 =	simm.s32 $0x0;
	s5 =	sshrl.u32 s1, $0xC;
	p0 =	sne.s32 s3, $0x0  }
.Ltmp0:
0x9: {  	s1 =	rddreg [dreg:$0x2];
	s4 =	simm.s32 @!p0 $0x0;
	(pc) =	sbr.rel .LBB1_1-.Ltmp0, $4  }
0xa: {  	s11 =	simm.s32 $0x0;
	s3 =	rddreg [dreg:$0x1];
	s5 =	sadd.s32 s4, s5  }
0xb: {  	_ =	strace $0x8000004A;
	s4 =	simm.s32 $0x1;
	s5 =	smul.u32 $0xC8, s5  }
0xc: {  	s6 =	sadd.s32 $0xF53400, s6;
	s10 =	smov.u32 s2;
	[sflag:s4] =	ssyncpa.u1 $0x0  }
0xd: {  	p0 =	por $0x0, $0x0;
	[sflag:s7] =	ssyncpa.u1 $0x0;
	s7 =	sor.u32 $0x1, s5  }
.LBB1_4:
0xe: {  	s16 =	sshll.u32 s13, $0x3;
	s17 =	sand.u32 $0x78, s13  }
0xf: {  	s30 =	sand.u32 $0x7E00, s13;
	s12 =	sshll.u32 s12, $0xF;
	s16 =	sand.u32 $0xC00, s16  }
0x10: {  	[tilespmem:s15+$0x810 ss:$0x81] =	vst.msk $0xffff, v2;
	s31 =	sand.u32 $0x7, s13;
	s16 =	sor.u32 s17, s16;
	s17 =	sadd.s32 s3, s30  }
0x11: {  	[tilespmem:s15+$0x1020 ss:$0x81] =	vst.msk $0xffff, v0;
	s13 =	sshll.u32 s31, $0x12;
	s12 =	sadd.s32 s12, s17;
	s16 =	sshrl.u32 s16, $0x3  }
0x12: {  	[tilespmem:s15+$0x0 ss:$0x81] =	vst.msk $0xffff, v1;
	s13 =	sor.u32 $0x400, s13;
	s12 =	sadd.s32 s16, s12  }
0x13: {  	[hbm4b:s12+s13] =	stream.strided.scatter [tilespmem:s14], [sflag:$0x2], $0x2000, s8, s13, $0x20;
	[tilespmem:$0x8080] =	vst v63  }
.LBB1_5:
0x14: {  	s14 =	sadd.s32 $0x1, s9  }
0x15: {  	s12 =	sadd.s32 $0x1000, s10;
	s16 =	smov.u32 s10;
	p2 =	sgt.s32 s14, $0xC7  }
0x16: {  	s16 =	smov.u32 @p2 s12  }
0x17: {  	s14 =	simm.s32 @p2 $0x0;
	p2 =	sgt.s32 s16, $0xFFF  }
0x18: {  	s16 =	smov.u32 @p2 s2;
	p2 =	sne.s32 s11, s7  }
.Ltmp1:
0x19: {  	p1 =	slt.u32 s11, $0x2;
	(pc) =	sbr.rel @!p2 .LBB1_6-.Ltmp1, $4  }
0x1a: {  	s15 =	simm.s32 @!p1 $0x2  }
0x1b: {  	s13 =	smov.u32 s10;
	p0 =	por !p0, !p0;
	_ =	swait.ge @!p1 [sflag:s15], $0x2000  }
0x1c: {  	s12 =	smov.u32 s9;
	[sflag:s15] =	ssyncset.done @!p1 $0x0;
	s9 =	smov.u32 s14  }
0x1d: {  	s11 =	sadd.s32 $0x1, s11;
	[sflag:s15] =	ssyncadd.s32 @!p1 $0xFFFFE000;
	s10 =	smov.u32 s16  }
.LBB1_1:
0x1e: {  	p1 =	sge.u32 s11, s5  }
0x1f: {  	s14 =	sand.u32 @!p1 $0x1FFFFFF, s9  }
0x20: {  	s15 =	smulhi.u32 @!p1 $0x147AE15, s14;
	_ =	sdelay $0x1  }
0x21: {  	s15 =	smul.u32 @!p1 $0xC8, s15  }
0x22: {  	s16 =	sxor.u32 @!p1 $0xFFFFFFFF, s11;
	s17 =	smul.u32 @!p1 $0xC80, s10  }
0x23: {  	s31 =	sadd.s32 $0xFFFFFFFF, s11;
	s16 =	sshll.u32 @!p1 s16, $0xD;
	s14 =	ssub.s32 @!p1 s14, s15  }
0x24: {  	s15 =	sand.u32 @!p1 $0x2000, s16;
	s16 =	sadd.s32 @!p1 s6, s17;
	s14 =	sshll.u32 @!p1 s14, $0x4  }
0x25: {  	s17 =	simm.s32 @!p1 $0x6400;
	s14 =	sadd.s32 @!p1 s14, s16;
	s16 =	simm.s32 @!p1 $0x40  }
0x26: {  	[tilespmem:s15], [sflag:$0x1] =	stream.strided.gather @!p1 [hbm4b:s14+s16], $0x2000, s17, s16, $0x38;
	[tilespmem:$0x8080] =	vst v63  }
0x27: {  	p1 =	sge.u32 s31, s5  }
.Ltmp2:
0x28: {  	_ = 	snop;
	(pc) =	sbr.rel @p1 .LBB1_5-.Ltmp2, $1  }
0x29: {  	_ =	sdelay $0x3  }
0x2a: {  	s14 =	simm.s32 $0x1  }
0x2b: {  	_ =	swait.ge [sflag:s4], $0x2000;
	s14 =	simm.s32 @!p0 $0x0  }
0x2c: {  	[sflag:s4] =	ssyncset.done $0x0;
	s15 =	sshll.u32 s14, $0xD  }
0x2d: {  	[sflag:s4] =	ssyncadd.s32 $0xFFFFE000;
	s18 =	sor.u32 $0x20, s15  }
0x2e: {  	s14 =	smul.u32 $0x8100, s14;
	v3 =	vld [tilespmem:s18+$0x10]  }
0x2f: {  	s30 =	sand.u32 $0x1, s11;
	v2 =	vld [tilespmem:s18+$0xFFFFFFF0]  }
0x30: {  	s15 =	smul.u32 $0x8100, s30;
	s14 =	sshrl.u32 s14, $0x2;
	v0 =	vld [tilespmem:s18+$0x0]  }
0x31: {  	v1 =	vld [tilespmem:s18+$0xFFFFFFE0];
	s16 =	sor.u32 $0x4000, s14  }
0x32: {  	s31 =	sshrl.u32 s15, $0x2;
	s15 =	sadd.s32 $0x0, s16  }
0x33: {  	s17 =	simm.s32 $0x4;
	s18 =	sadd.s32 $0x40, s18;
	s14 =	sor.u32 $0x4000, s31;
	[tilespmem:s15+$0x1830 ss:$0x81] =	vst.msk $0xffff, v3  }
.LBB1_3:
0x34: {  	v3 =	vld [tilespmem:s18+$0x10];
	p1 =	sne.s32 s17, $0x1FC;
	[tilespmem:s15+$0x810 ss:$0x81] =	vst.msk $0xffff, v2;
	s19 =	smov.u32 s17;
	s17 =	sadd.s32 $0x4, s17  }
.Ltmp3:
0x35: {  	v2 =	vld [tilespmem:s18+$0xFFFFFFF0];
	[tilespmem:s15+$0x1020 ss:$0x81] =	vst.msk $0xffff, v0;
	(pc) =	sbr.rel @p1 .LBB1_3-.Ltmp3, $4  }
0x36: {  	v0 =	vld [tilespmem:s18+$0x0];
	[tilespmem:s15+$0x0 ss:$0x81] =	vst.msk $0xffff, v1  }
0x37: {  	s15 =	sshra.s32 s19, $0x2;
	v1 =	vld [tilespmem:s18+$0xFFFFFFE0]  }
0x38: {  	s15 =	sadd.s32 s15, s16  }
0x39: {  	s18 =	sadd.s32 $0x40, s18;
	[tilespmem:s15+$0x1830 ss:$0x81] =	vst.msk $0xffff, v3  }
.Ltmp4:
0x3a: {  	_ = 	snop;
	(pc) =	sbr.rel .LBB1_4-.Ltmp4, $1  }
0x3b: {  	_ =	sdelay $0x3  }
.LBB1_6:
0x3c: {  	_ =	sfence.sel $0x180000  }
0x3d: {  	s2 =	simm.s32 $0x1;
	[bflag:$0x0] =	sbarrier.arrive $0xFFFF  }
0x3e: {  	s31 =	simm.s32 $0x2;
	[sflag:s2] =	ssyncpa.u1 $0x1  }
0x3f: {  	[sflag:s31] =	ssyncpa.u1 $0x1  }
0x40: {  	p0 =	sne.s32 s0, $0x0;
	_ =	strace $0x9000004A  }
0x41: {  	s0 =	sadd.s32 @!p0 $0x100000, s1;
	[bflag:$0x2] =	sbarrier.arrive $0xFFFF  }
0x42: {  	[sflag:s0] =	ssyncadd.tile.s32 @!p0 $0x1;
	_ =	shalt  }
.Lfunc_end1:
_tile_overlayer_lowered:
.L_overlay_start_2:
0x43: {  	(tag) =	ssettag $0x2  }
0x44: {  	s0 =	rddreg [dreg:$0x0];
	s2 =	stileid.u32  }
0x45: {  	s1 =	rddreg [dreg:$0x1];
	p0 =	sne.s32 s2, $0x0  }
0x46: {  	s3 =	rddreg [dreg:$0x2];
	[bflag:$0x3] =	sbarrier.arrive $0xFFFF;
	s2 =	simm.s32 @!p0 $0x1C01  }
0x47: {  	[timem:s3], [sflag:s2] =	dma.local @!p0 [hbm:s0], s1  }
0x48: {  	s0 =	simm.s32 @!p0 $0x1  }
0x49: {  	_ =	swait.ge @!p0 [sflag:s0], s1  }
0x4a: {  	s1 =	ssub.s32 @!p0 $0x0, s1;
	[sflag:s0] =	ssyncset.done @!p0 $0x0  }
0x4b: {  	[sflag:s0] =	ssyncadd.s32 @!p0 s1  }
0x4c: {  	[bflag:$0x3] =	sbarrier.arrive $0xFFFF  }
0x4d: {  	_ =	shalt  }

</sc_bundles>
